<compile_context>
chip_gen: v7x
topology: tpu7x:2x2x1
jax: 0.10.2.dev20260603
libtpu: 0.0.44.dev20260713+nightly
codegen_flags: <defaults>
</compile_context>

<pallas_src>
import functools

import jax
import jax.numpy as jnp
from jax import lax
from jax.experimental import pallas as pl
from jax.experimental.pallas import tpu as pltpu
from jax.experimental.pallas import tpu_sc as plsc

LAMB = 0.5
CHAMFER_W = 0.1

_B = 4
_P = 128
_M = 50176
_NW = 32
_PER = _M // 8
_VECS = _PER // 16
_SEG = 144
_BIG = 1e10

_mesh = plsc.VectorSubcoreMesh(core_axis_name="c", subcore_axis_name="s")


def _sc_body(sbc_hbm, tgt_hbm, outx_hbm, outy_hbm, outc_hbm,
             sorted_v, px_v, segmn_v, segmx_v,
             accv_v, ysv_v, cnv_v):
    c = lax.axis_index("c")
    s = lax.axis_index("s")
    wid = c * 16 + s
    n = wid // 8
    g = wid % 8

    iota = lax.iota(jnp.int32, 16)
    big = jnp.float32(_BIG)
    bigv = jnp.full((16,), _BIG, jnp.float32)
    nbigv = jnp.full((16,), -_BIG, jnp.float32)

    pltpu.sync_copy(sbc_hbm.at[n], sorted_v)

    base = n * _M + g * _PER
    pltpu.sync_copy(tgt_hbm.at[pl.ds(base, _PER)], px_v)
    for k in range(_SEG // 16):
        sl = pl.ds(16 * k, 16)
        segmn_v[sl] = bigv
        segmx_v[sl] = nbigv

    UV = 4

    def search(t):
        pos = jnp.zeros((16,), jnp.int32)
        for st in (64, 32, 16, 8, 4, 2, 1):
            probe = pos + (st - 1)
            v = plsc.load_gather(sorted_v, [probe])
            pos = pos + jnp.where(v <= t, st, 0)
        vf = plsc.load_gather(sorted_v, [pos])
        take = vf <= t
        pos = pos + jnp.where(take, 1, 0)
        oth = plsc.load_gather(
            sorted_v,
            [jnp.where(take, jnp.minimum(pos, _P - 1), jnp.maximum(pos - 1, 0))])
        lv = jnp.where(take, vf, oth)
        rv = jnp.where(take, oth, vf)
        dL = jnp.where(pos > 0, t - lv, big)
        dR = jnp.where(pos < _P, rv - t, big)
        return pos, jnp.minimum(dL, dR)

    def seg_update(t, pos, m):
        cmin = jnp.where(m, t, big)
        cmax = jnp.where(m, t, -big)

        def wcond(act):
            return jnp.max(act.astype(jnp.int32)) > 0

        def wbody(act):
            omn = plsc.load_gather(segmn_v, [pos])
            plsc.store_scatter(segmn_v, [pos], jnp.minimum(omn, cmin), mask=act)
            omx = plsc.load_gather(segmx_v, [pos])
            plsc.store_scatter(segmx_v, [pos], jnp.maximum(omx, cmax), mask=act)
            vmn = plsc.load_gather(segmn_v, [pos])
            vmx = plsc.load_gather(segmx_v, [pos])
            return act & ((vmn > cmin) | (vmx < cmax))

        lax.while_loop(wcond, wbody, m)

    def vec_step(i, carry):
        ys, cn = carry
        ts, ms, poss = [], [], []
        for u in range(UV):
            t = px_v[pl.ds((UV * i + u) * 16, 16)]
            m = t >= 0.001
            pos, dm = search(t)
            ys = ys + jnp.where(m, dm * dm, 0.0)
            cn = cn + jnp.where(m, 1.0, 0.0)
            ts.append(t)
            ms.append(m)
            poss.append(pos)
        for u in range(UV):
            seg_update(ts[u], poss[u], ms[u])
        return ys, cn

    ys, cn = lax.fori_loop(
        0, _VECS // UV, vec_step,
        (jnp.zeros((16,), jnp.float32), jnp.zeros((16,), jnp.float32)))

    ysv_v[...] = ys
    cnv_v[...] = cn
    pltpu.sync_copy(ysv_v, outy_hbm.at[wid])
    pltpu.sync_copy(cnv_v, outc_hbm.at[wid])

    carry = nbigv
    for k in range(_SEG // 16):
        sl = pl.ds(16 * k, 16)
        cm = jnp.maximum(plsc.cummax(segmx_v[sl]), carry)
        segmx_v[sl] = cm
        carry = plsc.load_gather(segmx_v, [jnp.full((16,), 16 * k + 15, jnp.int32)])
    carry = bigv
    for k in reversed(range(_SEG // 16)):
        sl = pl.ds(16 * k, 16)
        rv = lax.rev(segmn_v[sl], (0,))
        cm = jnp.minimum(-plsc.cummax(-rv), carry)
        segmn_v[sl] = lax.rev(cm, (0,))
        carry = plsc.load_gather(segmn_v, [jnp.full((16,), 16 * k, jnp.int32)])
    for k in range(8):
        sl = pl.ds(16 * k, 16)
        sb = sorted_v[sl]
        pm = segmx_v[sl]
        sm1 = plsc.load_gather(segmn_v, [iota + (16 * k + 1)])
        nr = jnp.minimum(jnp.minimum(sb - pm, sm1 - sb), big)
        accv_v[sl] = nr
    pltpu.sync_copy(accv_v, outx_hbm.at[wid])


@functools.partial(
    pl.kernel,
    out_type=[
        jax.ShapeDtypeStruct((_NW, _P), jnp.float32),
        jax.ShapeDtypeStruct((_NW, 16), jnp.float32),
        jax.ShapeDtypeStruct((_NW, 16), jnp.float32),
    ],
    mesh=_mesh,
    compiler_params=pltpu.CompilerParams(needs_layout_passes=False),
    scratch_types=[
        pltpu.VMEM((_P,), jnp.float32),
        pltpu.VMEM((_PER,), jnp.float32),
        pltpu.VMEM((_SEG,), jnp.float32),
        pltpu.VMEM((_SEG,), jnp.float32),
        pltpu.VMEM((_P,), jnp.float32),
        pltpu.VMEM((16,), jnp.float32),
        pltpu.VMEM((16,), jnp.float32),
    ],
)
def _sc_cham(sbc_hbm, tgt_hbm, outx_hbm, outy_hbm, outc_hbm, *scratch):
    _sc_body(sbc_hbm, tgt_hbm, outx_hbm, outy_hbm, outc_hbm, *scratch)


_ROWS = 392
_LANES = 128


def _sort_body(lor_ref, hir_ref, loc_ref, hic_ref, sort_ref):
    bc = 0.5 * (lor_ref[0] + hir_ref[0])
    bct = 0.5 * (loc_ref[0] + hic_ref[0])
    ii = lax.broadcasted_iota(jnp.int32, (_P, _P), 1)
    jj = lax.broadcasted_iota(jnp.int32, (_P, _P), 0)
    take = (bc < bct) | ((bc == bct) & (ii < jj))
    rank_col = jnp.sum(take.astype(jnp.int32), axis=1, keepdims=True)
    onehot = rank_col == lax.broadcasted_iota(jnp.int32, (_P, _P), 1)
    sort_ref[0] = jnp.sum(jnp.where(onehot, bct, 0.0), axis=0, keepdims=True)


def _eig_body(tgt_ref, prd_ref, eig_ref):
    U = 56
    z = jnp.zeros((1, _LANES), jnp.float32)

    def step(i, carry):
        s1, s2 = carry
        r = i * U
        tg = tgt_ref[0, pl.ds(r, U), :]
        pr = prd_ref[0, pl.ds(r, U), :]
        df = jnp.log(pr) - jnp.log(tg)
        return (s1 + jnp.sum(df, axis=0, keepdims=True),
                s2 + jnp.sum(df * df, axis=0, keepdims=True))

    s1, s2 = lax.fori_loop(0, _ROWS // U, step, (z, z))
    eig_ref[0, 0:1, :] = s1
    eig_ref[0, 1:2, :] = s2


@jax.jit
def _run(bin_edges, pred, target):
    e_lo = bin_edges[:, :-1]
    e_hi = bin_edges[:, 1:]
    tflat = target.reshape(-1)

    sbc = pl.pallas_call(
        _sort_body,
        grid=(_B,),
        in_specs=[
            pl.BlockSpec((1, 1, _P), lambda i: (i, 0, 0)),
            pl.BlockSpec((1, 1, _P), lambda i: (i, 0, 0)),
            pl.BlockSpec((1, _P, 1), lambda i: (i, 0, 0)),
            pl.BlockSpec((1, _P, 1), lambda i: (i, 0, 0)),
        ],
        out_specs=pl.BlockSpec((1, 1, _P), lambda i: (i, 0, 0)),
        out_shape=jax.ShapeDtypeStruct((_B, 1, _P), jnp.float32),
    )(e_lo.reshape(_B, 1, _P), e_hi.reshape(_B, 1, _P),
      e_lo.reshape(_B, _P, 1), e_hi.reshape(_B, _P, 1))

    outx, outy, outc = _sc_cham(sbc.reshape(_B, _P), tflat)

    eig = pl.pallas_call(
        _eig_body,
        grid=(_B,),
        in_specs=[
            pl.BlockSpec((1, _ROWS, _LANES), lambda i: (i, 0, 0)),
            pl.BlockSpec((1, _ROWS, _LANES), lambda i: (i, 0, 0)),
        ],
        out_specs=pl.BlockSpec((1, 2, _LANES), lambda i: (i, 0, 0)),
        out_shape=jax.ShapeDtypeStruct((_B, 2, _LANES), jnp.float32),
    )(target.reshape(_B, _ROWS, _LANES), pred.reshape(_B, _ROWS, _LANES))

    ntot = jnp.float32(_B * _M)
    mu1 = jnp.sum(eig[:, 0, :]) / ntot
    mu2 = jnp.sum(eig[:, 1, :]) / ntot
    depth = jnp.sqrt(mu2 - LAMB * mu1 * mu1) * 10.0

    ysb = outy.reshape(_B, 8 * 16).sum(axis=-1)
    cnb = outc.reshape(_B, 8 * 16).sum(axis=-1)
    cham_y = ysb / jnp.maximum(cnb, 1.0)
    nr = outx.reshape(_B, 8, _P).min(axis=1)
    cham_x = (nr * nr).mean(axis=-1)
    return depth + CHAMFER_W * jnp.mean(cham_x + cham_y)


def kernel(bin_edges, pred, target):
    return _run(bin_edges, pred, target)

# --- scband reference (transcript-rebuilt; emitter-appended) ---
"""Pipeline reference for scband-adabins-loss-39024072851572 (READ-ONLY COPY).

The authoritative reference and input builder live on the scoring server;
editing this copy changes nothing except your own understanding.
"""

import jax, jax.numpy as jnp
import numpy as np

LAMB = 0.5
CHAMFER_W = 0.1


def setup_inputs(seed: int = 0) -> dict:
    key = jax.random.key(seed)
    k1, k2, k3 = jax.random.split(key, 3)
    # depth-like values must be strictly positive (EigenLoss takes logs)
    bin_edges = jax.random.uniform(k1, (4, 129), dtype=jnp.float32, minval=0.001, maxval=10.0)
    pred = jax.random.uniform(k2, (4, 1, 224, 224), dtype=jnp.float32, minval=0.05, maxval=10.0)
    target = jax.random.uniform(k3, (4, 1, 224, 224), dtype=jnp.float32, minval=0.05, maxval=10.0)
    return {"bin_edges": bin_edges, "pred": pred, "target": target}


def _adabins_loss(bin_edges, pred, target):
    # EigenLoss (scale-invariant log depth loss), mask=None
    diff = jnp.log(pred) - jnp.log(target)
    depth_loss = jnp.sqrt(jnp.mean(diff ** 2) - LAMB * jnp.mean(diff) ** 2) * 10.0

    # BinsChamferLoss: chamfer distance between 1-D bin centers and valid depth pixels
    bc = 0.5 * (bin_edges[:, 1:] + bin_edges[:, :-1])  # [n, p]
    n, p = bc.shape
    tp = target.reshape(n, -1)                          # [n, M] flattened depth maps
    mask = tp >= 0.001                                  # valid-pixel mask (ragged lengths)
    lengths = jnp.maximum(mask.sum(axis=1), 1)

    # pairwise squared distances [n, p, M] (1-D points)
    d = (bc[:, :, None] - tp[:, None, :]) ** 2

    # cham_x: for each bin center, nearest valid depth pixel (invalid pixels excluded)
    d_x = jnp.where(mask[:, None, :], d, jnp.float32(1e10))
    cham_x = jnp.min(d_x, axis=2).mean(axis=1)          # mean over all p bin centers

    # cham_y: for each valid depth pixel, nearest bin center; mean over valid pixels
    d_y = jnp.min(d, axis=1)                            # [n, M]
    cham_y = jnp.where(mask, d_y, 0.0).sum(axis=1) / lengths.astype(jnp.float32)

    bins_loss = jnp.mean(cham_x + cham_y)               # batch mean, pytorch3d default reductions
    return depth_loss + CHAMFER_W * bins_loss


def reference(bin_edges, pred, target):
    return _adabins_loss(bin_edges, pred, target)

if __name__ == "__main__":
    import jax
    _d = setup_inputs()
    print(jax.jit(kernel)(*tuple(_d.values())))

</pallas_src>

<mosaic_0001>
#map = affine_map<(d0, d1) -> (0, 0)>
#map1 = affine_map<(d0, d1) -> (0)>
module attributes {stable_mosaic.version = 14 : i64} {
  func.func @_sc_cham(%arg0: i32, %arg1: i32, %arg2: memref<4x128xf32, #tpu.memory_space<hbm>>, %arg3: memref<200704xf32, #tpu.memory_space<hbm>>, %arg4: memref<32x128xf32, #tpu.memory_space<hbm>>, %arg5: memref<32x16xf32, #tpu.memory_space<hbm>>, %arg6: memref<32x16xf32, #tpu.memory_space<hbm>>, %arg7: memref<128xf32, #tpu.memory_space<vmem>>, %arg8: memref<6272xf32, #tpu.memory_space<vmem>>, %arg9: memref<144xf32, #tpu.memory_space<vmem>>, %arg10: memref<144xf32, #tpu.memory_space<vmem>>, %arg11: memref<128xf32, #tpu.memory_space<vmem>>, %arg12: memref<16xf32, #tpu.memory_space<vmem>>, %arg13: memref<16xf32, #tpu.memory_space<vmem>>) attributes {dimension_semantics = [#tpu.dimension_semantics<core_parallel>, #tpu.dimension_semantics<subcore_parallel>], iteration_bounds = array<i64: 2, 16>, scalar_prefetch = 0 : i64, scratch_operands = 7 : i64, tpu.core_type = #tpu.core_type<sc_vector_subcore>, window_params = [{transform_indices = #map}, {transform_indices = #map1}, {transform_indices = #map}, {transform_indices = #map}, {transform_indices = #map}]} {
    %mul3A = arith.constant 16 : i32
    %mul3A_0 = arith.muli %arg0, %mul3A : i32
    %add3A = arith.addi %mul3A_0, %arg1 : i32
    %jit3A = arith.constant 8 : i32
    %div3A = arith.divsi %add3A, %jit3A : i32
    %sign3A = arith.constant 0 : i32
    %sign3A_1 = arith.cmpi sgt, %add3A, %sign3A : i32
    %sign3A_2 = arith.extui %sign3A_1 : i1 to i32
    %sign3A_3 = arith.constant 0 : i32
    %sign3A_4 = arith.cmpi slt, %add3A, %sign3A_3 : i32
    %sign3A_5 = arith.extui %sign3A_4 : i1 to i32
    %sign3A_6 = arith.subi %sign3A_2, %sign3A_5 : i32
    %sign3A_7 = arith.constant 0 : i32
    %sign3A_8 = arith.cmpi sgt, %jit3A, %sign3A_7 : i32
    %sign3A_9 = arith.extui %sign3A_8 : i1 to i32
    %sign3A_10 = arith.constant 0 : i32
    %sign3A_11 = arith.cmpi slt, %jit3A, %sign3A_10 : i32
    %sign3A_12 = arith.extui %sign3A_11 : i1 to i32
    %sign3A_13 = arith.subi %sign3A_9, %sign3A_12 : i32
    %ne3A = arith.cmpi ne, %sign3A_6, %sign3A_13 : i32
    %rem3A = arith.remsi %add3A, %jit3A : i32
    %ne3A_14 = arith.constant 0 : i32
    %ne3A_15 = arith.cmpi ne, %rem3A, %ne3A_14 : i32
    %and3A = arith.andi %ne3A, %ne3A_15 : i1
    %sub3A = arith.constant 1 : i32
    %sub3A_16 = arith.subi %div3A, %sub3A : i32
    %select_n3A = arith.select %and3A, %sub3A_16, %div3A : i32
    %jit3A_17 = arith.constant 8 : i32
    %eq3A = arith.constant 0 : i32
    %eq3A_18 = arith.cmpi eq, %jit3A_17, %eq3A : i32
    %jit3A_19 = arith.constant 1 : i32
    %select_n3A_20 = arith.select %eq3A_18, %jit3A_19, %jit3A_17 : i32
    %rem3A_21 = arith.remsi %add3A, %select_n3A_20 : i32
    %ne3A_22 = arith.constant 0 : i32
    %ne3A_23 = arith.cmpi ne, %rem3A_21, %ne3A_22 : i32
    %lt3A = arith.constant 0 : i32
    %lt3A_24 = arith.cmpi slt, %rem3A_21, %lt3A : i32
    %lt3A_25 = arith.constant 0 : i32
    %lt3A_26 = arith.cmpi slt, %select_n3A_20, %lt3A_25 : i32
    %ne3A_27 = arith.xori %lt3A_24, %lt3A_26 : i1
    %and3A_28 = arith.andi %ne3A_27, %ne3A_23 : i1
    %add3A_29 = arith.addi %rem3A_21, %select_n3A_20 : i32
    %select_n3A_30 = arith.select %and3A_28, %add3A_29, %rem3A_21 : i32
    %iota3A = tpu.iota {dimensions = array<i32: 0>} : vector<16xi32>
    %broadcast_in_dim3A = arith.constant 1.000000e+10 : f32
    %broadcast_in_dim3A_31 = vector.broadcast %broadcast_in_dim3A : f32 to vector<16xf32>
    %broadcast_in_dim3A_32 = arith.constant -1.000000e+10 : f32
    %broadcast_in_dim3A_33 = vector.broadcast %broadcast_in_dim3A_32 : f32 to vector<16xf32>
    "tpu.region"() ({
      %run_scoped3A = tpu.sem_alloc : memref<!tpu.dma_semaphore, #tpu.memory_space<semaphore_mem>>
      %dma_start3A = arith.constant 0 : i32
      %dma_start3A_551 = tpu.memref_slice %arg2[%select_n3A, %dma_start3A] : memref<4x128xf32, #tpu.memory_space<hbm>> -> memref<1x128xf32, #tpu.memory_space<hbm>>
      %dma_start3A_552 = tpu.memref_squeeze %dma_start3A_551 : memref<1x128xf32, #tpu.memory_space<hbm>> -> memref<128xf32, #tpu.memory_space<hbm>>
      %dma_start3A_553 = arith.constant 0 : i32
      %dma_start3A_554 = tpu.memref_slice %arg2[%select_n3A, %dma_start3A_553] : memref<4x128xf32, #tpu.memory_space<hbm>> -> memref<1x128xf32, #tpu.memory_space<hbm>>
      %dma_start3A_555 = tpu.memref_squeeze %dma_start3A_554 : memref<1x128xf32, #tpu.memory_space<hbm>> -> memref<128xf32, #tpu.memory_space<hbm>>
      tpu.enqueue_dma source(%dma_start3A_555 : memref<128xf32, #tpu.memory_space<hbm>>) target(%arg7 : memref<128xf32, #tpu.memory_space<vmem>>) target_semaphore(%run_scoped3A : memref<!tpu.dma_semaphore, #tpu.memory_space<semaphore_mem>>)
      %dma_wait3A = arith.constant 0 : i32
      %dma_wait3A_556 = tpu.memref_slice %arg2[%select_n3A, %dma_wait3A] : memref<4x128xf32, #tpu.memory_space<hbm>> -> memref<1x128xf32, #tpu.memory_space<hbm>>
      %dma_wait3A_557 = tpu.memref_squeeze %dma_wait3A_556 : memref<1x128xf32, #tpu.memory_space<hbm>> -> memref<128xf32, #tpu.memory_space<hbm>>
      %dma_wait3A_558 = arith.constant 0 : i32
      %dma_wait3A_559 = tpu.memref_slice %arg2[%select_n3A, %dma_wait3A_558] : memref<4x128xf32, #tpu.memory_space<hbm>> -> memref<1x128xf32, #tpu.memory_space<hbm>>
      %dma_wait3A_560 = tpu.memref_squeeze %dma_wait3A_559 : memref<1x128xf32, #tpu.memory_space<hbm>> -> memref<128xf32, #tpu.memory_space<hbm>>
      tpu.wait_dma2 semaphore(%run_scoped3A : memref<!tpu.dma_semaphore, #tpu.memory_space<semaphore_mem>>) src(%dma_wait3A_560 : memref<128xf32, #tpu.memory_space<hbm>>) dst(%arg7 : memref<128xf32, #tpu.memory_space<vmem>>)
      tpu.yield
    }) : () -> ()
    %mul3A_34 = arith.constant 50176 : i32
    %mul3A_35 = arith.muli %select_n3A, %mul3A_34 : i32
    %mul3A_36 = arith.constant 6272 : i32
    %mul3A_37 = arith.muli %select_n3A_30, %mul3A_36 : i32
    %add3A_38 = arith.addi %mul3A_35, %mul3A_37 : i32
    "tpu.region"() ({
      %run_scoped3A = tpu.sem_alloc : memref<!tpu.dma_semaphore, #tpu.memory_space<semaphore_mem>>
      %dma_start3A = tpu.memref_slice %arg3[%add3A_38] : memref<200704xf32, #tpu.memory_space<hbm>> -> memref<6272xf32, #tpu.memory_space<hbm>>
      %dma_start3A_551 = tpu.memref_slice %arg3[%add3A_38] : memref<200704xf32, #tpu.memory_space<hbm>> -> memref<6272xf32, #tpu.memory_space<hbm>>
      tpu.enqueue_dma source(%dma_start3A_551 : memref<6272xf32, #tpu.memory_space<hbm>>) target(%arg8 : memref<6272xf32, #tpu.memory_space<vmem>>) target_semaphore(%run_scoped3A : memref<!tpu.dma_semaphore, #tpu.memory_space<semaphore_mem>>)
      %dma_wait3A = tpu.memref_slice %arg3[%add3A_38] : memref<200704xf32, #tpu.memory_space<hbm>> -> memref<6272xf32, #tpu.memory_space<hbm>>
      %dma_wait3A_552 = tpu.memref_slice %arg3[%add3A_38] : memref<200704xf32, #tpu.memory_space<hbm>> -> memref<6272xf32, #tpu.memory_space<hbm>>
      tpu.wait_dma2 semaphore(%run_scoped3A : memref<!tpu.dma_semaphore, #tpu.memory_space<semaphore_mem>>) src(%dma_wait3A_552 : memref<6272xf32, #tpu.memory_space<hbm>>) dst(%arg8 : memref<6272xf32, #tpu.memory_space<vmem>>)
      tpu.yield
    }) : () -> ()
    %swap3A = arith.constant 0 : index
    %swap3A_39 = tpu.vector_load %arg9[%swap3A] {strides = array<i32>} : memref<144xf32, #tpu.memory_space<vmem>>, vector<16xf32>,
    tpu.vector_store %arg9[%swap3A], %broadcast_in_dim3A_31 {strides = array<i32>} : memref<144xf32, #tpu.memory_space<vmem>>, vector<16xf32>,
    %swap3A_40 = arith.constant 0 : index
    %swap3A_41 = tpu.vector_load %arg10[%swap3A_40] {strides = array<i32>} : memref<144xf32, #tpu.memory_space<vmem>>, vector<16xf32>,
    tpu.vector_store %arg10[%swap3A_40], %broadcast_in_dim3A_33 {strides = array<i32>} : memref<144xf32, #tpu.memory_space<vmem>>, vector<16xf32>,
    %swap3A_42 = arith.constant 16 : index
    %swap3A_43 = tpu.vector_load %arg9[%swap3A_42] {strides = array<i32>} : memref<144xf32, #tpu.memory_space<vmem>>, vector<16xf32>,
    tpu.vector_store %arg9[%swap3A_42], %broadcast_in_dim3A_31 {strides = array<i32>} : memref<144xf32, #tpu.memory_space<vmem>>, vector<16xf32>,
    %swap3A_44 = arith.constant 16 : index
    %swap3A_45 = tpu.vector_load %arg10[%swap3A_44] {strides = array<i32>} : memref<144xf32, #tpu.memory_space<vmem>>, vector<16xf32>,
    tpu.vector_store %arg10[%swap3A_44], %broadcast_in_dim3A_33 {strides = array<i32>} : memref<144xf32, #tpu.memory_space<vmem>>, vector<16xf32>,
    %swap3A_46 = arith.constant 32 : index
    %swap3A_47 = tpu.vector_load %arg9[%swap3A_46] {strides = array<i32>} : memref<144xf32, #tpu.memory_space<vmem>>, vector<16xf32>,
    tpu.vector_store %arg9[%swap3A_46], %broadcast_in_dim3A_31 {strides = array<i32>} : memref<144xf32, #tpu.memory_space<vmem>>, vector<16xf32>,
    %swap3A_48 = arith.constant 32 : index
    %swap3A_49 = tpu.vector_load %arg10[%swap3A_48] {strides = array<i32>} : memref<144xf32, #tpu.memory_space<vmem>>, vector<16xf32>,
    tpu.vector_store %arg10[%swap3A_48], %broadcast_in_dim3A_33 {strides = array<i32>} : memref<144xf32, #tpu.memory_space<vmem>>, vector<16xf32>,
    %swap3A_50 = arith.constant 48 : index
    %swap3A_51 = tpu.vector_load %arg9[%swap3A_50] {strides = array<i32>} : memref<144xf32, #tpu.memory_space<vmem>>, vector<16xf32>,
    tpu.vector_store %arg9[%swap3A_50], %broadcast_in_dim3A_31 {strides = array<i32>} : memref<144xf32, #tpu.memory_space<vmem>>, vector<16xf32>,
    %swap3A_52 = arith.constant 48 : index
    %swap3A_53 = tpu.vector_load %arg10[%swap3A_52] {strides = array<i32>} : memref<144xf32, #tpu.memory_space<vmem>>, vector<16xf32>,
    tpu.vector_store %arg10[%swap3A_52], %broadcast_in_dim3A_33 {strides = array<i32>} : memref<144xf32, #tpu.memory_space<vmem>>, vector<16xf32>,
    %swap3A_54 = arith.constant 64 : index
    %swap3A_55 = tpu.vector_load %arg9[%swap3A_54] {strides = array<i32>} : memref<144xf32, #tpu.memory_space<vmem>>, vector<16xf32>,
    tpu.vector_store %arg9[%swap3A_54], %broadcast_in_dim3A_31 {strides = array<i32>} : memref<144xf32, #tpu.memory_space<vmem>>, vector<16xf32>,
    %swap3A_56 = arith.constant 64 : index
    %swap3A_57 = tpu.vector_load %arg10[%swap3A_56] {strides = array<i32>} : memref<144xf32, #tpu.memory_space<vmem>>, vector<16xf32>,
    tpu.vector_store %arg10[%swap3A_56], %broadcast_in_dim3A_33 {strides = array<i32>} : memref<144xf32, #tpu.memory_space<vmem>>, vector<16xf32>,
    %swap3A_58 = arith.constant 80 : index
    %swap3A_59 = tpu.vector_load %arg9[%swap3A_58] {strides = array<i32>} : memref<144xf32, #tpu.memory_space<vmem>>, vector<16xf32>,
    tpu.vector_store %arg9[%swap3A_58], %broadcast_in_dim3A_31 {strides = array<i32>} : memref<144xf32, #tpu.memory_space<vmem>>, vector<16xf32>,
    %swap3A_60 = arith.constant 80 : index
    %swap3A_61 = tpu.vector_load %arg10[%swap3A_60] {strides = array<i32>} : memref<144xf32, #tpu.memory_space<vmem>>, vector<16xf32>,
    tpu.vector_store %arg10[%swap3A_60], %broadcast_in_dim3A_33 {strides = array<i32>} : memref<144xf32, #tpu.memory_space<vmem>>, vector<16xf32>,
    %swap3A_62 = arith.constant 96 : index
    %swap3A_63 = tpu.vector_load %arg9[%swap3A_62] {strides = array<i32>} : memref<144xf32, #tpu.memory_space<vmem>>, vector<16xf32>,
    tpu.vector_store %arg9[%swap3A_62], %broadcast_in_dim3A_31 {strides = array<i32>} : memref<144xf32, #tpu.memory_space<vmem>>, vector<16xf32>,
    %swap3A_64 = arith.constant 96 : index
    %swap3A_65 = tpu.vector_load %arg10[%swap3A_64] {strides = array<i32>} : memref<144xf32, #tpu.memory_space<vmem>>, vector<16xf32>,
    tpu.vector_store %arg10[%swap3A_64], %broadcast_in_dim3A_33 {strides = array<i32>} : memref<144xf32, #tpu.memory_space<vmem>>, vector<16xf32>,
    %swap3A_66 = arith.constant 112 : index
    %swap3A_67 = tpu.vector_load %arg9[%swap3A_66] {strides = array<i32>} : memref<144xf32, #tpu.memory_space<vmem>>, vector<16xf32>,
    tpu.vector_store %arg9[%swap3A_66], %broadcast_in_dim3A_31 {strides = array<i32>} : memref<144xf32, #tpu.memory_space<vmem>>, vector<16xf32>,
    %swap3A_68 = arith.constant 112 : index
    %swap3A_69 = tpu.vector_load %arg10[%swap3A_68] {strides = array<i32>} : memref<144xf32, #tpu.memory_space<vmem>>, vector<16xf32>,
    tpu.vector_store %arg10[%swap3A_68], %broadcast_in_dim3A_33 {strides = array<i32>} : memref<144xf32, #tpu.memory_space<vmem>>, vector<16xf32>,
    %swap3A_70 = arith.constant 128 : index
    %swap3A_71 = tpu.vector_load %arg9[%swap3A_70] {strides = array<i32>} : memref<144xf32, #tpu.memory_space<vmem>>, vector<16xf32>,
    tpu.vector_store %arg9[%swap3A_70], %broadcast_in_dim3A_31 {strides = array<i32>} : memref<144xf32, #tpu.memory_space<vmem>>, vector<16xf32>,
    %swap3A_72 = arith.constant 128 : index
    %swap3A_73 = tpu.vector_load %arg10[%swap3A_72] {strides = array<i32>} : memref<144xf32, #tpu.memory_space<vmem>>, vector<16xf32>,
    tpu.vector_store %arg10[%swap3A_72], %broadcast_in_dim3A_33 {strides = array<i32>} : memref<144xf32, #tpu.memory_space<vmem>>, vector<16xf32>,
    %broadcast_in_dim3A_74 = arith.constant 0.000000e+00 : f32
    %broadcast_in_dim3A_75 = vector.broadcast %broadcast_in_dim3A_74 : f32 to vector<16xf32>
    %broadcast_in_dim3A_76 = arith.constant 0.000000e+00 : f32
    %broadcast_in_dim3A_77 = vector.broadcast %broadcast_in_dim3A_76 : f32 to vector<16xf32>
    %scan3A = arith.constant 1.000000e+10 : f32
    %scan3A_78 = arith.constant 0 : i32
    %scan3A_79 = arith.constant 98 : i32
    %scan3A_80 = arith.addi %scan3A_78, %scan3A_79 : i32
    %scan3A_81 = arith.constant 1 : i32
    %scan3A_82:2 = scf.for %scan3A_551 = %scan3A_78 to %scan3A_80 step %scan3A_81 iter_args(%scan3A_552 = %broadcast_in_dim3A_75, %scan3A_553 = %broadcast_in_dim3A_77) -> (vector<16xf32>, vector<16xf32>)  : i32 {
      %mul3A_554 = arith.constant 4 : i32
      %mul3A_555 = arith.muli %mul3A_554, %scan3A_551 : i32
      %add3A_556 = arith.constant 0 : i32
      %add3A_557 = arith.addi %mul3A_555, %add3A_556 : i32
      %mul3A_558 = arith.constant 16 : i32
      %mul3A_559 = arith.muli %add3A_557, %mul3A_558 : i32
      %get3A_560 = arith.index_cast %mul3A_559 : i32 to index
      %get3A_561 = tpu.vector_load %arg8[%get3A_560] {strides = array<i32>} : memref<6272xf32, #tpu.memory_space<vmem>>, vector<16xf32>,
      %ge3A = arith.constant 1.000000e-03 : f32
      %ge3A_562 = vector.broadcast %ge3A : f32 to vector<16xf32>
      %ge3A_563 = arith.cmpf oge, %get3A_561, %ge3A_562 : vector<16xf32>
      %broadcast_in_dim3A_564 = arith.constant 0 : i32
      %broadcast_in_dim3A_565 = vector.broadcast %broadcast_in_dim3A_564 : i32 to vector<16xi32>
      %add3A_566 = arith.constant 63 : i32
      %add3A_567 = vector.broadcast %add3A_566 : i32 to vector<16xi32>
      %add3A_568 = arith.addi %broadcast_in_dim3A_565, %add3A_567 : vector<16xi32>
      %gather3A_569 = tpu.vector_load_idx %arg7[%add3A_568] : memref<128xf32, #tpu.memory_space<vmem>>[vector<16xi32>], vector<16xf32>,
      %le3A = arith.cmpf ole, %gather3A_569, %get3A_561 : vector<16xf32>
      %jit3A_570 = arith.constant 64 : i32
      %jit3A_571 = arith.constant 0 : i32
      %broadcast_in_dim3A_572 = vector.broadcast %jit3A_570 : i32 to vector<16xi32>
      %broadcast_in_dim3A_573 = vector.broadcast %jit3A_571 : i32 to vector<16xi32>
      %select_n3A_574 = arith.select %le3A, %broadcast_in_dim3A_572, %broadcast_in_dim3A_573 : vector<16xi1>, vector<16xi32>
      %add3A_575 = arith.addi %broadcast_in_dim3A_565, %select_n3A_574 : vector<16xi32>
      %add3A_576 = arith.constant 31 : i32
      %add3A_577 = vector.broadcast %add3A_576 : i32 to vector<16xi32>
      %add3A_578 = arith.addi %add3A_575, %add3A_577 : vector<16xi32>
      %gather3A_579 = tpu.vector_load_idx %arg7[%add3A_578] : memref<128xf32, #tpu.memory_space<vmem>>[vector<16xi32>], vector<16xf32>,
      %le3A_580 = arith.cmpf ole, %gather3A_579, %get3A_561 : vector<16xf32>
      %jit3A_581 = arith.constant 32 : i32
      %jit3A_582 = arith.constant 0 : i32
      %broadcast_in_dim3A_583 = vector.broadcast %jit3A_581 : i32 to vector<16xi32>
      %broadcast_in_dim3A_584 = vector.broadcast %jit3A_582 : i32 to vector<16xi32>
      %select_n3A_585 = arith.select %le3A_580, %broadcast_in_dim3A_583, %broadcast_in_dim3A_584 : vector<16xi1>, vector<16xi32>
      %add3A_586 = arith.addi %add3A_575, %select_n3A_585 : vector<16xi32>
      %add3A_587 = arith.constant 15 : i32
      %add3A_588 = vector.broadcast %add3A_587 : i32 to vector<16xi32>
      %add3A_589 = arith.addi %add3A_586, %add3A_588 : vector<16xi32>
      %gather3A_590 = tpu.vector_load_idx %arg7[%add3A_589] : memref<128xf32, #tpu.memory_space<vmem>>[vector<16xi32>], vector<16xf32>,
      %le3A_591 = arith.cmpf ole, %gather3A_590, %get3A_561 : vector<16xf32>
      %jit3A_592 = arith.constant 16 : i32
      %jit3A_593 = arith.constant 0 : i32
      %broadcast_in_dim3A_594 = vector.broadcast %jit3A_592 : i32 to vector<16xi32>
      %broadcast_in_dim3A_595 = vector.broadcast %jit3A_593 : i32 to vector<16xi32>
      %select_n3A_596 = arith.select %le3A_591, %broadcast_in_dim3A_594, %broadcast_in_dim3A_595 : vector<16xi1>, vector<16xi32>
      %add3A_597 = arith.addi %add3A_586, %select_n3A_596 : vector<16xi32>
      %add3A_598 = arith.constant 7 : i32
      %add3A_599 = vector.broadcast %add3A_598 : i32 to vector<16xi32>
      %add3A_600 = arith.addi %add3A_597, %add3A_599 : vector<16xi32>
      %gather3A_601 = tpu.vector_load_idx %arg7[%add3A_600] : memref<128xf32, #tpu.memory_space<vmem>>[vector<16xi32>], vector<16xf32>,
      %le3A_602 = arith.cmpf ole, %gather3A_601, %get3A_561 : vector<16xf32>
      %jit3A_603 = arith.constant 8 : i32
      %jit3A_604 = arith.constant 0 : i32
      %broadcast_in_dim3A_605 = vector.broadcast %jit3A_603 : i32 to vector<16xi32>
      %broadcast_in_dim3A_606 = vector.broadcast %jit3A_604 : i32 to vector<16xi32>
      %select_n3A_607 = arith.select %le3A_602, %broadcast_in_dim3A_605, %broadcast_in_dim3A_606 : vector<16xi1>, vector<16xi32>
      %add3A_608 = arith.addi %add3A_597, %select_n3A_607 : vector<16xi32>
      %add3A_609 = arith.constant 3 : i32
      %add3A_610 = vector.broadcast %add3A_609 : i32 to vector<16xi32>
      %add3A_611 = arith.addi %add3A_608, %add3A_610 : vector<16xi32>
      %gather3A_612 = tpu.vector_load_idx %arg7[%add3A_611] : memref<128xf32, #tpu.memory_space<vmem>>[vector<16xi32>], vector<16xf32>,
      %le3A_613 = arith.cmpf ole, %gather3A_612, %get3A_561 : vector<16xf32>
      %jit3A_614 = arith.constant 4 : i32
      %jit3A_615 = arith.constant 0 : i32
      %broadcast_in_dim3A_616 = vector.broadcast %jit3A_614 : i32 to vector<16xi32>
      %broadcast_in_dim3A_617 = vector.broadcast %jit3A_615 : i32 to vector<16xi32>
      %select_n3A_618 = arith.select %le3A_613, %broadcast_in_dim3A_616, %broadcast_in_dim3A_617 : vector<16xi1>, vector<16xi32>
      %add3A_619 = arith.addi %add3A_608, %select_n3A_618 : vector<16xi32>
      %add3A_620 = arith.constant 1 : i32
      %add3A_621 = vector.broadcast %add3A_620 : i32 to vector<16xi32>
      %add3A_622 = arith.addi %add3A_619, %add3A_621 : vector<16xi32>
      %gather3A_623 = tpu.vector_load_idx %arg7[%add3A_622] : memref<128xf32, #tpu.memory_space<vmem>>[vector<16xi32>], vector<16xf32>,
      %le3A_624 = arith.cmpf ole, %gather3A_623, %get3A_561 : vector<16xf32>
      %jit3A_625 = arith.constant 2 : i32
      %jit3A_626 = arith.constant 0 : i32
      %broadcast_in_dim3A_627 = vector.broadcast %jit3A_625 : i32 to vector<16xi32>
      %broadcast_in_dim3A_628 = vector.broadcast %jit3A_626 : i32 to vector<16xi32>
      %select_n3A_629 = arith.select %le3A_624, %broadcast_in_dim3A_627, %broadcast_in_dim3A_628 : vector<16xi1>, vector<16xi32>
      %add3A_630 = arith.addi %add3A_619, %select_n3A_629 : vector<16xi32>
      %add3A_631 = arith.constant 0 : i32
      %add3A_632 = vector.broadcast %add3A_631 : i32 to vector<16xi32>
      %add3A_633 = arith.addi %add3A_630, %add3A_632 : vector<16xi32>
      %gather3A_634 = tpu.vector_load_idx %arg7[%add3A_633] : memref<128xf32, #tpu.memory_space<vmem>>[vector<16xi32>], vector<16xf32>,
      %le3A_635 = arith.cmpf ole, %gather3A_634, %get3A_561 : vector<16xf32>
      %jit3A_636 = arith.constant 1 : i32
      %jit3A_637 = arith.constant 0 : i32
      %broadcast_in_dim3A_638 = vector.broadcast %jit3A_636 : i32 to vector<16xi32>
      %broadcast_in_dim3A_639 = vector.broadcast %jit3A_637 : i32 to vector<16xi32>
      %select_n3A_640 = arith.select %le3A_635, %broadcast_in_dim3A_638, %broadcast_in_dim3A_639 : vector<16xi1>, vector<16xi32>
      %add3A_641 = arith.addi %add3A_630, %select_n3A_640 : vector<16xi32>
      %gather3A_642 = tpu.vector_load_idx %arg7[%add3A_641] : memref<128xf32, #tpu.memory_space<vmem>>[vector<16xi32>], vector<16xf32>,
      %le3A_643 = arith.cmpf ole, %gather3A_642, %get3A_561 : vector<16xf32>
      %jit3A_644 = arith.constant 1 : i32
      %jit3A_645 = arith.constant 0 : i32
      %broadcast_in_dim3A_646 = vector.broadcast %jit3A_644 : i32 to vector<16xi32>
      %broadcast_in_dim3A_647 = vector.broadcast %jit3A_645 : i32 to vector<16xi32>
      %select_n3A_648 = arith.select %le3A_643, %broadcast_in_dim3A_646, %broadcast_in_dim3A_647 : vector<16xi1>, vector<16xi32>
      %add3A_649 = arith.addi %add3A_641, %select_n3A_648 : vector<16xi32>
      %min3A_650 = arith.constant 127 : i32
      %min3A_651 = vector.broadcast %min3A_650 : i32 to vector<16xi32>
      %min3A_652 = arith.minsi %add3A_649, %min3A_651 : vector<16xi32>
      %sub3A_653 = arith.constant 1 : i32
      %sub3A_654 = vector.broadcast %sub3A_653 : i32 to vector<16xi32>
      %sub3A_655 = arith.subi %add3A_649, %sub3A_654 : vector<16xi32>
      %max3A_656 = arith.constant 0 : i32
      %max3A_657 = vector.broadcast %max3A_656 : i32 to vector<16xi32>
      %max3A_658 = arith.maxsi %sub3A_655, %max3A_657 : vector<16xi32>
      %select_n3A_659 = arith.select %le3A_643, %min3A_652, %max3A_658 : vector<16xi1>, vector<16xi32>
      %gather3A_660 = tpu.vector_load_idx %arg7[%select_n3A_659] : memref<128xf32, #tpu.memory_space<vmem>>[vector<16xi32>], vector<16xf32>,
      %select_n3A_661 = arith.select %le3A_643, %gather3A_642, %gather3A_660 : vector<16xi1>, vector<16xf32>
      %select_n3A_662 = arith.select %le3A_643, %gather3A_660, %gather3A_642 : vector<16xi1>, vector<16xf32>
      %gt3A = arith.constant 0 : i32
      %gt3A_663 = vector.broadcast %gt3A : i32 to vector<16xi32>
      %gt3A_664 = arith.cmpi sgt, %add3A_649, %gt3A_663 : vector<16xi32>
      %sub3A_665 = arith.subf %get3A_561, %select_n3A_661 : vector<16xf32>
      %broadcast_in_dim3A_666 = vector.broadcast %scan3A : f32 to vector<16xf32>
      %select_n3A_667 = arith.select %gt3A_664, %sub3A_665, %broadcast_in_dim3A_666 : vector<16xi1>, vector<16xf32>
      %lt3A_668 = arith.constant 128 : i32
      %lt3A_669 = vector.broadcast %lt3A_668 : i32 to vector<16xi32>
      %lt3A_670 = arith.cmpi slt, %add3A_649, %lt3A_669 : vector<16xi32>
      %sub3A_671 = arith.subf %select_n3A_662, %get3A_561 : vector<16xf32>
      %broadcast_in_dim3A_672 = vector.broadcast %scan3A : f32 to vector<16xf32>
      %select_n3A_673 = arith.select %lt3A_670, %sub3A_671, %broadcast_in_dim3A_672 : vector<16xi1>, vector<16xf32>
      %min3A_674 = arith.minimumf %select_n3A_667, %select_n3A_673 : vector<16xf32>
      %mul3A_675 = arith.mulf %min3A_674, %min3A_674 : vector<16xf32>
      %jit3A_676 = arith.constant 0.000000e+00 : f32
      %broadcast_in_dim3A_677 = vector.broadcast %jit3A_676 : f32 to vector<16xf32>
      %select_n3A_678 = arith.select %ge3A_563, %mul3A_675, %broadcast_in_dim3A_677 : vector<16xi1>, vector<16xf32>
      %add3A_679 = arith.addf %scan3A_552, %select_n3A_678 : vector<16xf32>
      %jit3A_680 = arith.constant 1.000000e+00 : f32
      %jit3A_681 = arith.constant 0.000000e+00 : f32
      %broadcast_in_dim3A_682 = vector.broadcast %jit3A_680 : f32 to vector<16xf32>
      %broadcast_in_dim3A_683 = vector.broadcast %jit3A_681 : f32 to vector<16xf32>
      %select_n3A_684 = arith.select %ge3A_563, %broadcast_in_dim3A_682, %broadcast_in_dim3A_683 : vector<16xi1>, vector<16xf32>
      %add3A_685 = arith.addf %scan3A_553, %select_n3A_684 : vector<16xf32>
      %mul3A_686 = arith.constant 4 : i32
      %mul3A_687 = arith.muli %mul3A_686, %scan3A_551 : i32
      %add3A_688 = arith.constant 1 : i32
      %add3A_689 = arith.addi %mul3A_687, %add3A_688 : i32
      %mul3A_690 = arith.constant 16 : i32
      %mul3A_691 = arith.muli %add3A_689, %mul3A_690 : i32
      %get3A_692 = arith.index_cast %mul3A_691 : i32 to index
      %get3A_693 = tpu.vector_load %arg8[%get3A_692] {strides = array<i32>} : memref<6272xf32, #tpu.memory_space<vmem>>, vector<16xf32>,
      %ge3A_694 = arith.constant 1.000000e-03 : f32
      %ge3A_695 = vector.broadcast %ge3A_694 : f32 to vector<16xf32>
      %ge3A_696 = arith.cmpf oge, %get3A_693, %ge3A_695 : vector<16xf32>
      %broadcast_in_dim3A_697 = arith.constant 0 : i32
      %broadcast_in_dim3A_698 = vector.broadcast %broadcast_in_dim3A_697 : i32 to vector<16xi32>
      %add3A_699 = arith.constant 63 : i32
      %add3A_700 = vector.broadcast %add3A_699 : i32 to vector<16xi32>
      %add3A_701 = arith.addi %broadcast_in_dim3A_698, %add3A_700 : vector<16xi32>
      %gather3A_702 = tpu.vector_load_idx %arg7[%add3A_701] : memref<128xf32, #tpu.memory_space<vmem>>[vector<16xi32>], vector<16xf32>,
      %le3A_703 = arith.cmpf ole, %gather3A_702, %get3A_693 : vector<16xf32>
      %jit3A_704 = arith.constant 64 : i32
      %jit3A_705 = arith.constant 0 : i32
      %broadcast_in_dim3A_706 = vector.broadcast %jit3A_704 : i32 to vector<16xi32>
      %broadcast_in_dim3A_707 = vector.broadcast %jit3A_705 : i32 to vector<16xi32>
      %select_n3A_708 = arith.select %le3A_703, %broadcast_in_dim3A_706, %broadcast_in_dim3A_707 : vector<16xi1>, vector<16xi32>
      %add3A_709 = arith.addi %broadcast_in_dim3A_698, %select_n3A_708 : vector<16xi32>
      %add3A_710 = arith.constant 31 : i32
      %add3A_711 = vector.broadcast %add3A_710 : i32 to vector<16xi32>
      %add3A_712 = arith.addi %add3A_709, %add3A_711 : vector<16xi32>
      %gather3A_713 = tpu.vector_load_idx %arg7[%add3A_712] : memref<128xf32, #tpu.memory_space<vmem>>[vector<16xi32>], vector<16xf32>,
      %le3A_714 = arith.cmpf ole, %gather3A_713, %get3A_693 : vector<16xf32>
      %jit3A_715 = arith.constant 32 : i32
      %jit3A_716 = arith.constant 0 : i32
      %broadcast_in_dim3A_717 = vector.broadcast %jit3A_715 : i32 to vector<16xi32>
      %broadcast_in_dim3A_718 = vector.broadcast %jit3A_716 : i32 to vector<16xi32>
      %select_n3A_719 = arith.select %le3A_714, %broadcast_in_dim3A_717, %broadcast_in_dim3A_718 : vector<16xi1>, vector<16xi32>
      %add3A_720 = arith.addi %add3A_709, %select_n3A_719 : vector<16xi32>
      %add3A_721 = arith.constant 15 : i32
      %add3A_722 = vector.broadcast %add3A_721 : i32 to vector<16xi32>
      %add3A_723 = arith.addi %add3A_720, %add3A_722 : vector<16xi32>
      %gather3A_724 = tpu.vector_load_idx %arg7[%add3A_723] : memref<128xf32, #tpu.memory_space<vmem>>[vector<16xi32>], vector<16xf32>,
      %le3A_725 = arith.cmpf ole, %gather3A_724, %get3A_693 : vector<16xf32>
      %jit3A_726 = arith.constant 16 : i32
      %jit3A_727 = arith.constant 0 : i32
      %broadcast_in_dim3A_728 = vector.broadcast %jit3A_726 : i32 to vector<16xi32>
      %broadcast_in_dim3A_729 = vector.broadcast %jit3A_727 : i32 to vector<16xi32>
      %select_n3A_730 = arith.select %le3A_725, %broadcast_in_dim3A_728, %broadcast_in_dim3A_729 : vector<16xi1>, vector<16xi32>
      %add3A_731 = arith.addi %add3A_720, %select_n3A_730 : vector<16xi32>
      %add3A_732 = arith.constant 7 : i32
      %add3A_733 = vector.broadcast %add3A_732 : i32 to vector<16xi32>
      %add3A_734 = arith.addi %add3A_731, %add3A_733 : vector<16xi32>
      %gather3A_735 = tpu.vector_load_idx %arg7[%add3A_734] : memref<128xf32, #tpu.memory_space<vmem>>[vector<16xi32>], vector<16xf32>,
      %le3A_736 = arith.cmpf ole, %gather3A_735, %get3A_693 : vector<16xf32>
      %jit3A_737 = arith.constant 8 : i32
      %jit3A_738 = arith.constant 0 : i32
      %broadcast_in_dim3A_739 = vector.broadcast %jit3A_737 : i32 to vector<16xi32>
      %broadcast_in_dim3A_740 = vector.broadcast %jit3A_738 : i32 to vector<16xi32>
      %select_n3A_741 = arith.select %le3A_736, %broadcast_in_dim3A_739, %broadcast_in_dim3A_740 : vector<16xi1>, vector<16xi32>
      %add3A_742 = arith.addi %add3A_731, %select_n3A_741 : vector<16xi32>
      %add3A_743 = arith.constant 3 : i32
      %add3A_744 = vector.broadcast %add3A_743 : i32 to vector<16xi32>
      %add3A_745 = arith.addi %add3A_742, %add3A_744 : vector<16xi32>
      %gather3A_746 = tpu.vector_load_idx %arg7[%add3A_745] : memref<128xf32, #tpu.memory_space<vmem>>[vector<16xi32>], vector<16xf32>,
      %le3A_747 = arith.cmpf ole, %gather3A_746, %get3A_693 : vector<16xf32>
      %jit3A_748 = arith.constant 4 : i32
      %jit3A_749 = arith.constant 0 : i32
      %broadcast_in_dim3A_750 = vector.broadcast %jit3A_748 : i32 to vector<16xi32>
      %broadcast_in_dim3A_751 = vector.broadcast %jit3A_749 : i32 to vector<16xi32>
      %select_n3A_752 = arith.select %le3A_747, %broadcast_in_dim3A_750, %broadcast_in_dim3A_751 : vector<16xi1>, vector<16xi32>
      %add3A_753 = arith.addi %add3A_742, %select_n3A_752 : vector<16xi32>
      %add3A_754 = arith.constant 1 : i32
      %add3A_755 = vector.broadcast %add3A_754 : i32 to vector<16xi32>
      %add3A_756 = arith.addi %add3A_753, %add3A_755 : vector<16xi32>
      %gather3A_757 = tpu.vector_load_idx %arg7[%add3A_756] : memref<128xf32, #tpu.memory_space<vmem>>[vector<16xi32>], vector<16xf32>,
      %le3A_758 = arith.cmpf ole, %gather3A_757, %get3A_693 : vector<16xf32>
      %jit3A_759 = arith.constant 2 : i32
      %jit3A_760 = arith.constant 0 : i32
      %broadcast_in_dim3A_761 = vector.broadcast %jit3A_759 : i32 to vector<16xi32>
      %broadcast_in_dim3A_762 = vector.broadcast %jit3A_760 : i32 to vector<16xi32>
      %select_n3A_763 = arith.select %le3A_758, %broadcast_in_dim3A_761, %broadcast_in_dim3A_762 : vector<16xi1>, vector<16xi32>
      %add3A_764 = arith.addi %add3A_753, %select_n3A_763 : vector<16xi32>
      %add3A_765 = arith.constant 0 : i32
      %add3A_766 = vector.broadcast %add3A_765 : i32 to vector<16xi32>
      %add3A_767 = arith.addi %add3A_764, %add3A_766 : vector<16xi32>
      %gather3A_768 = tpu.vector_load_idx %arg7[%add3A_767] : memref<128xf32, #tpu.memory_space<vmem>>[vector<16xi32>], vector<16xf32>,
      %le3A_769 = arith.cmpf ole, %gather3A_768, %get3A_693 : vector<16xf32>
      %jit3A_770 = arith.constant 1 : i32
      %jit3A_771 = arith.constant 0 : i32
      %broadcast_in_dim3A_772 = vector.broadcast %jit3A_770 : i32 to vector<16xi32>
      %broadcast_in_dim3A_773 = vector.broadcast %jit3A_771 : i32 to vector<16xi32>
      %select_n3A_774 = arith.select %le3A_769, %broadcast_in_dim3A_772, %broadcast_in_dim3A_773 : vector<16xi1>, vector<16xi32>
      %add3A_775 = arith.addi %add3A_764, %select_n3A_774 : vector<16xi32>
      %gather3A_776 = tpu.vector_load_idx %arg7[%add3A_775] : memref<128xf32, #tpu.memory_space<vmem>>[vector<16xi32>], vector<16xf32>,
      %le3A_777 = arith.cmpf ole, %gather3A_776, %get3A_693 : vector<16xf32>
      %jit3A_778 = arith.constant 1 : i32
      %jit3A_779 = arith.constant 0 : i32
      %broadcast_in_dim3A_780 = vector.broadcast %jit3A_778 : i32 to vector<16xi32>
      %broadcast_in_dim3A_781 = vector.broadcast %jit3A_779 : i32 to vector<16xi32>
      %select_n3A_782 = arith.select %le3A_777, %broadcast_in_dim3A_780, %broadcast_in_dim3A_781 : vector<16xi1>, vector<16xi32>
      %add3A_783 = arith.addi %add3A_775, %select_n3A_782 : vector<16xi32>
      %min3A_784 = arith.constant 127 : i32
      %min3A_785 = vector.broadcast %min3A_784 : i32 to vector<16xi32>
      %min3A_786 = arith.minsi %add3A_783, %min3A_785 : vector<16xi32>
      %sub3A_787 = arith.constant 1 : i32
      %sub3A_788 = vector.broadcast %sub3A_787 : i32 to vector<16xi32>
      %sub3A_789 = arith.subi %add3A_783, %sub3A_788 : vector<16xi32>
      %max3A_790 = arith.constant 0 : i32
      %max3A_791 = vector.broadcast %max3A_790 : i32 to vector<16xi32>
      %max3A_792 = arith.maxsi %sub3A_789, %max3A_791 : vector<16xi32>
      %select_n3A_793 = arith.select %le3A_777, %min3A_786, %max3A_792 : vector<16xi1>, vector<16xi32>
      %gather3A_794 = tpu.vector_load_idx %arg7[%select_n3A_793] : memref<128xf32, #tpu.memory_space<vmem>>[vector<16xi32>], vector<16xf32>,
      %select_n3A_795 = arith.select %le3A_777, %gather3A_776, %gather3A_794 : vector<16xi1>, vector<16xf32>
      %select_n3A_796 = arith.select %le3A_777, %gather3A_794, %gather3A_776 : vector<16xi1>, vector<16xf32>
      %gt3A_797 = arith.constant 0 : i32
      %gt3A_798 = vector.broadcast %gt3A_797 : i32 to vector<16xi32>
      %gt3A_799 = arith.cmpi sgt, %add3A_783, %gt3A_798 : vector<16xi32>
      %sub3A_800 = arith.subf %get3A_693, %select_n3A_795 : vector<16xf32>
      %broadcast_in_dim3A_801 = vector.broadcast %scan3A : f32 to vector<16xf32>
      %select_n3A_802 = arith.select %gt3A_799, %sub3A_800, %broadcast_in_dim3A_801 : vector<16xi1>, vector<16xf32>
      %lt3A_803 = arith.constant 128 : i32
      %lt3A_804 = vector.broadcast %lt3A_803 : i32 to vector<16xi32>
      %lt3A_805 = arith.cmpi slt, %add3A_783, %lt3A_804 : vector<16xi32>
      %sub3A_806 = arith.subf %select_n3A_796, %get3A_693 : vector<16xf32>
      %broadcast_in_dim3A_807 = vector.broadcast %scan3A : f32 to vector<16xf32>
      %select_n3A_808 = arith.select %lt3A_805, %sub3A_806, %broadcast_in_dim3A_807 : vector<16xi1>, vector<16xf32>
      %min3A_809 = arith.minimumf %select_n3A_802, %select_n3A_808 : vector<16xf32>
      %mul3A_810 = arith.mulf %min3A_809, %min3A_809 : vector<16xf32>
      %jit3A_811 = arith.constant 0.000000e+00 : f32
      %broadcast_in_dim3A_812 = vector.broadcast %jit3A_811 : f32 to vector<16xf32>
      %select_n3A_813 = arith.select %ge3A_696, %mul3A_810, %broadcast_in_dim3A_812 : vector<16xi1>, vector<16xf32>
      %add3A_814 = arith.addf %add3A_679, %select_n3A_813 : vector<16xf32>
      %jit3A_815 = arith.constant 1.000000e+00 : f32
      %jit3A_816 = arith.constant 0.000000e+00 : f32
      %broadcast_in_dim3A_817 = vector.broadcast %jit3A_815 : f32 to vector<16xf32>
      %broadcast_in_dim3A_818 = vector.broadcast %jit3A_816 : f32 to vector<16xf32>
      %select_n3A_819 = arith.select %ge3A_696, %broadcast_in_dim3A_817, %broadcast_in_dim3A_818 : vector<16xi1>, vector<16xf32>
      %add3A_820 = arith.addf %add3A_685, %select_n3A_819 : vector<16xf32>
      %mul3A_821 = arith.constant 4 : i32
      %mul3A_822 = arith.muli %mul3A_821, %scan3A_551 : i32
      %add3A_823 = arith.constant 2 : i32
      %add3A_824 = arith.addi %mul3A_822, %add3A_823 : i32
      %mul3A_825 = arith.constant 16 : i32
      %mul3A_826 = arith.muli %add3A_824, %mul3A_825 : i32
      %get3A_827 = arith.index_cast %mul3A_826 : i32 to index
      %get3A_828 = tpu.vector_load %arg8[%get3A_827] {strides = array<i32>} : memref<6272xf32, #tpu.memory_space<vmem>>, vector<16xf32>,
      %ge3A_829 = arith.constant 1.000000e-03 : f32
      %ge3A_830 = vector.broadcast %ge3A_829 : f32 to vector<16xf32>
      %ge3A_831 = arith.cmpf oge, %get3A_828, %ge3A_830 : vector<16xf32>
      %broadcast_in_dim3A_832 = arith.constant 0 : i32
      %broadcast_in_dim3A_833 = vector.broadcast %broadcast_in_dim3A_832 : i32 to vector<16xi32>
      %add3A_834 = arith.constant 63 : i32
      %add3A_835 = vector.broadcast %add3A_834 : i32 to vector<16xi32>
      %add3A_836 = arith.addi %broadcast_in_dim3A_833, %add3A_835 : vector<16xi32>
      %gather3A_837 = tpu.vector_load_idx %arg7[%add3A_836] : memref<128xf32, #tpu.memory_space<vmem>>[vector<16xi32>], vector<16xf32>,
      %le3A_838 = arith.cmpf ole, %gather3A_837, %get3A_828 : vector<16xf32>
      %jit3A_839 = arith.constant 64 : i32
      %jit3A_840 = arith.constant 0 : i32
      %broadcast_in_dim3A_841 = vector.broadcast %jit3A_839 : i32 to vector<16xi32>
      %broadcast_in_dim3A_842 = vector.broadcast %jit3A_840 : i32 to vector<16xi32>
      %select_n3A_843 = arith.select %le3A_838, %broadcast_in_dim3A_841, %broadcast_in_dim3A_842 : vector<16xi1>, vector<16xi32>
      %add3A_844 = arith.addi %broadcast_in_dim3A_833, %select_n3A_843 : vector<16xi32>
      %add3A_845 = arith.constant 31 : i32
      %add3A_846 = vector.broadcast %add3A_845 : i32 to vector<16xi32>
      %add3A_847 = arith.addi %add3A_844, %add3A_846 : vector<16xi32>
      %gather3A_848 = tpu.vector_load_idx %arg7[%add3A_847] : memref<128xf32, #tpu.memory_space<vmem>>[vector<16xi32>], vector<16xf32>,
      %le3A_849 = arith.cmpf ole, %gather3A_848, %get3A_828 : vector<16xf32>
      %jit3A_850 = arith.constant 32 : i32
      %jit3A_851 = arith.constant 0 : i32
      %broadcast_in_dim3A_852 = vector.broadcast %jit3A_850 : i32 to vector<16xi32>
      %broadcast_in_dim3A_853 = vector.broadcast %jit3A_851 : i32 to vector<16xi32>
      %select_n3A_854 = arith.select %le3A_849, %broadcast_in_dim3A_852, %broadcast_in_dim3A_853 : vector<16xi1>, vector<16xi32>
      %add3A_855 = arith.addi %add3A_844, %select_n3A_854 : vector<16xi32>
      %add3A_856 = arith.constant 15 : i32
      %add3A_857 = vector.broadcast %add3A_856 : i32 to vector<16xi32>
      %add3A_858 = arith.addi %add3A_855, %add3A_857 : vector<16xi32>
      %gather3A_859 = tpu.vector_load_idx %arg7[%add3A_858] : memref<128xf32, #tpu.memory_space<vmem>>[vector<16xi32>], vector<16xf32>,
      %le3A_860 = arith.cmpf ole, %gather3A_859, %get3A_828 : vector<16xf32>
      %jit3A_861 = arith.constant 16 : i32
      %jit3A_862 = arith.constant 0 : i32
      %broadcast_in_dim3A_863 = vector.broadcast %jit3A_861 : i32 to vector<16xi32>
      %broadcast_in_dim3A_864 = vector.broadcast %jit3A_862 : i32 to vector<16xi32>
      %select_n3A_865 = arith.select %le3A_860, %broadcast_in_dim3A_863, %broadcast_in_dim3A_864 : vector<16xi1>, vector<16xi32>
      %add3A_866 = arith.addi %add3A_855, %select_n3A_865 : vector<16xi32>
      %add3A_867 = arith.constant 7 : i32
      %add3A_868 = vector.broadcast %add3A_867 : i32 to vector<16xi32>
      %add3A_869 = arith.addi %add3A_866, %add3A_868 : vector<16xi32>
      %gather3A_870 = tpu.vector_load_idx %arg7[%add3A_869] : memref<128xf32, #tpu.memory_space<vmem>>[vector<16xi32>], vector<16xf32>,
      %le3A_871 = arith.cmpf ole, %gather3A_870, %get3A_828 : vector<16xf32>
      %jit3A_872 = arith.constant 8 : i32
      %jit3A_873 = arith.constant 0 : i32
      %broadcast_in_dim3A_874 = vector.broadcast %jit3A_872 : i32 to vector<16xi32>
      %broadcast_in_dim3A_875 = vector.broadcast %jit3A_873 : i32 to vector<16xi32>
      %select_n3A_876 = arith.select %le3A_871, %broadcast_in_dim3A_874, %broadcast_in_dim3A_875 : vector<16xi1>, vector<16xi32>
      %add3A_877 = arith.addi %add3A_866, %select_n3A_876 : vector<16xi32>
      %add3A_878 = arith.constant 3 : i32
      %add3A_879 = vector.broadcast %add3A_878 : i32 to vector<16xi32>
      %add3A_880 = arith.addi %add3A_877, %add3A_879 : vector<16xi32>
      %gather3A_881 = tpu.vector_load_idx %arg7[%add3A_880] : memref<128xf32, #tpu.memory_space<vmem>>[vector<16xi32>], vector<16xf32>,
      %le3A_882 = arith.cmpf ole, %gather3A_881, %get3A_828 : vector<16xf32>
      %jit3A_883 = arith.constant 4 : i32
      %jit3A_884 = arith.constant 0 : i32
      %broadcast_in_dim3A_885 = vector.broadcast %jit3A_883 : i32 to vector<16xi32>
      %broadcast_in_dim3A_886 = vector.broadcast %jit3A_884 : i32 to vector<16xi32>
      %select_n3A_887 = arith.select %le3A_882, %broadcast_in_dim3A_885, %broadcast_in_dim3A_886 : vector<16xi1>, vector<16xi32>
      %add3A_888 = arith.addi %add3A_877, %select_n3A_887 : vector<16xi32>
      %add3A_889 = arith.constant 1 : i32
      %add3A_890 = vector.broadcast %add3A_889 : i32 to vector<16xi32>
      %add3A_891 = arith.addi %add3A_888, %add3A_890 : vector<16xi32>
      %gather3A_892 = tpu.vector_load_idx %arg7[%add3A_891] : memref<128xf32, #tpu.memory_space<vmem>>[vector<16xi32>], vector<16xf32>,
      %le3A_893 = arith.cmpf ole, %gather3A_892, %get3A_828 : vector<16xf32>
      %jit3A_894 = arith.constant 2 : i32
      %jit3A_895 = arith.constant 0 : i32
      %broadcast_in_dim3A_896 = vector.broadcast %jit3A_894 : i32 to vector<16xi32>
      %broadcast_in_dim3A_897 = vector.broadcast %jit3A_895 : i32 to vector<16xi32>
      %select_n3A_898 = arith.select %le3A_893, %broadcast_in_dim3A_896, %broadcast_in_dim3A_897 : vector<16xi1>, vector<16xi32>
      %add3A_899 = arith.addi %add3A_888, %select_n3A_898 : vector<16xi32>
      %add3A_900 = arith.constant 0 : i32
      %add3A_901 = vector.broadcast %add3A_900 : i32 to vector<16xi32>
      %add3A_902 = arith.addi %add3A_899, %add3A_901 : vector<16xi32>
      %gather3A_903 = tpu.vector_load_idx %arg7[%add3A_902] : memref<128xf32, #tpu.memory_space<vmem>>[vector<16xi32>], vector<16xf32>,
      %le3A_904 = arith.cmpf ole, %gather3A_903, %get3A_828 : vector<16xf32>
      %jit3A_905 = arith.constant 1 : i32
      %jit3A_906 = arith.constant 0 : i32
      %broadcast_in_dim3A_907 = vector.broadcast %jit3A_905 : i32 to vector<16xi32>
      %broadcast_in_dim3A_908 = vector.broadcast %jit3A_906 : i32 to vector<16xi32>
      %select_n3A_909 = arith.select %le3A_904, %broadcast_in_dim3A_907, %broadcast_in_dim3A_908 : vector<16xi1>, vector<16xi32>
      %add3A_910 = arith.addi %add3A_899, %select_n3A_909 : vector<16xi32>
      %gather3A_911 = tpu.vector_load_idx %arg7[%add3A_910] : memref<128xf32, #tpu.memory_space<vmem>>[vector<16xi32>], vector<16xf32>,
      %le3A_912 = arith.cmpf ole, %gather3A_911, %get3A_828 : vector<16xf32>
      %jit3A_913 = arith.constant 1 : i32
      %jit3A_914 = arith.constant 0 : i32
      %broadcast_in_dim3A_915 = vector.broadcast %jit3A_913 : i32 to vector<16xi32>
      %broadcast_in_dim3A_916 = vector.broadcast %jit3A_914 : i32 to vector<16xi32>
      %select_n3A_917 = arith.select %le3A_912, %broadcast_in_dim3A_915, %broadcast_in_dim3A_916 : vector<16xi1>, vector<16xi32>
      %add3A_918 = arith.addi %add3A_910, %select_n3A_917 : vector<16xi32>
      %min3A_919 = arith.constant 127 : i32
      %min3A_920 = vector.broadcast %min3A_919 : i32 to vector<16xi32>
      %min3A_921 = arith.minsi %add3A_918, %min3A_920 : vector<16xi32>
      %sub3A_922 = arith.constant 1 : i32
      %sub3A_923 = vector.broadcast %sub3A_922 : i32 to vector<16xi32>
      %sub3A_924 = arith.subi %add3A_918, %sub3A_923 : vector<16xi32>
      %max3A_925 = arith.constant 0 : i32
      %max3A_926 = vector.broadcast %max3A_925 : i32 to vector<16xi32>
      %max3A_927 = arith.maxsi %sub3A_924, %max3A_926 : vector<16xi32>
      %select_n3A_928 = arith.select %le3A_912, %min3A_921, %max3A_927 : vector<16xi1>, vector<16xi32>
      %gather3A_929 = tpu.vector_load_idx %arg7[%select_n3A_928] : memref<128xf32, #tpu.memory_space<vmem>>[vector<16xi32>], vector<16xf32>,
      %select_n3A_930 = arith.select %le3A_912, %gather3A_911, %gather3A_929 : vector<16xi1>, vector<16xf32>
      %select_n3A_931 = arith.select %le3A_912, %gather3A_929, %gather3A_911 : vector<16xi1>, vector<16xf32>
      %gt3A_932 = arith.constant 0 : i32
      %gt3A_933 = vector.broadcast %gt3A_932 : i32 to vector<16xi32>
      %gt3A_934 = arith.cmpi sgt, %add3A_918, %gt3A_933 : vector<16xi32>
      %sub3A_935 = arith.subf %get3A_828, %select_n3A_930 : vector<16xf32>
      %broadcast_in_dim3A_936 = vector.broadcast %scan3A : f32 to vector<16xf32>
      %select_n3A_937 = arith.select %gt3A_934, %sub3A_935, %broadcast_in_dim3A_936 : vector<16xi1>, vector<16xf32>
      %lt3A_938 = arith.constant 128 : i32
      %lt3A_939 = vector.broadcast %lt3A_938 : i32 to vector<16xi32>
      %lt3A_940 = arith.cmpi slt, %add3A_918, %lt3A_939 : vector<16xi32>
      %sub3A_941 = arith.subf %select_n3A_931, %get3A_828 : vector<16xf32>
      %broadcast_in_dim3A_942 = vector.broadcast %scan3A : f32 to vector<16xf32>
      %select_n3A_943 = arith.select %lt3A_940, %sub3A_941, %broadcast_in_dim3A_942 : vector<16xi1>, vector<16xf32>
      %min3A_944 = arith.minimumf %select_n3A_937, %select_n3A_943 : vector<16xf32>
      %mul3A_945 = arith.mulf %min3A_944, %min3A_944 : vector<16xf32>
      %jit3A_946 = arith.constant 0.000000e+00 : f32
      %broadcast_in_dim3A_947 = vector.broadcast %jit3A_946 : f32 to vector<16xf32>
      %select_n3A_948 = arith.select %ge3A_831, %mul3A_945, %broadcast_in_dim3A_947 : vector<16xi1>, vector<16xf32>
      %add3A_949 = arith.addf %add3A_814, %select_n3A_948 : vector<16xf32>
      %jit3A_950 = arith.constant 1.000000e+00 : f32
      %jit3A_951 = arith.constant 0.000000e+00 : f32
      %broadcast_in_dim3A_952 = vector.broadcast %jit3A_950 : f32 to vector<16xf32>
      %broadcast_in_dim3A_953 = vector.broadcast %jit3A_951 : f32 to vector<16xf32>
      %select_n3A_954 = arith.select %ge3A_831, %broadcast_in_dim3A_952, %broadcast_in_dim3A_953 : vector<16xi1>, vector<16xf32>
      %add3A_955 = arith.addf %add3A_820, %select_n3A_954 : vector<16xf32>
      %mul3A_956 = arith.constant 4 : i32
      %mul3A_957 = arith.muli %mul3A_956, %scan3A_551 : i32
      %add3A_958 = arith.constant 3 : i32
      %add3A_959 = arith.addi %mul3A_957, %add3A_958 : i32
      %mul3A_960 = arith.constant 16 : i32
      %mul3A_961 = arith.muli %add3A_959, %mul3A_960 : i32
      %get3A_962 = arith.index_cast %mul3A_961 : i32 to index
      %get3A_963 = tpu.vector_load %arg8[%get3A_962] {strides = array<i32>} : memref<6272xf32, #tpu.memory_space<vmem>>, vector<16xf32>,
      %ge3A_964 = arith.constant 1.000000e-03 : f32
      %ge3A_965 = vector.broadcast %ge3A_964 : f32 to vector<16xf32>
      %ge3A_966 = arith.cmpf oge, %get3A_963, %ge3A_965 : vector<16xf32>
      %broadcast_in_dim3A_967 = arith.constant 0 : i32
      %broadcast_in_dim3A_968 = vector.broadcast %broadcast_in_dim3A_967 : i32 to vector<16xi32>
      %add3A_969 = arith.constant 63 : i32
      %add3A_970 = vector.broadcast %add3A_969 : i32 to vector<16xi32>
      %add3A_971 = arith.addi %broadcast_in_dim3A_968, %add3A_970 : vector<16xi32>
      %gather3A_972 = tpu.vector_load_idx %arg7[%add3A_971] : memref<128xf32, #tpu.memory_space<vmem>>[vector<16xi32>], vector<16xf32>,
      %le3A_973 = arith.cmpf ole, %gather3A_972, %get3A_963 : vector<16xf32>
      %jit3A_974 = arith.constant 64 : i32
      %jit3A_975 = arith.constant 0 : i32
      %broadcast_in_dim3A_976 = vector.broadcast %jit3A_974 : i32 to vector<16xi32>
      %broadcast_in_dim3A_977 = vector.broadcast %jit3A_975 : i32 to vector<16xi32>
      %select_n3A_978 = arith.select %le3A_973, %broadcast_in_dim3A_976, %broadcast_in_dim3A_977 : vector<16xi1>, vector<16xi32>
      %add3A_979 = arith.addi %broadcast_in_dim3A_968, %select_n3A_978 : vector<16xi32>
      %add3A_980 = arith.constant 31 : i32
      %add3A_981 = vector.broadcast %add3A_980 : i32 to vector<16xi32>
      %add3A_982 = arith.addi %add3A_979, %add3A_981 : vector<16xi32>
      %gather3A_983 = tpu.vector_load_idx %arg7[%add3A_982] : memref<128xf32, #tpu.memory_space<vmem>>[vector<16xi32>], vector<16xf32>,
      %le3A_984 = arith.cmpf ole, %gather3A_983, %get3A_963 : vector<16xf32>
      %jit3A_985 = arith.constant 32 : i32
      %jit3A_986 = arith.constant 0 : i32
      %broadcast_in_dim3A_987 = vector.broadcast %jit3A_985 : i32 to vector<16xi32>
      %broadcast_in_dim3A_988 = vector.broadcast %jit3A_986 : i32 to vector<16xi32>
      %select_n3A_989 = arith.select %le3A_984, %broadcast_in_dim3A_987, %broadcast_in_dim3A_988 : vector<16xi1>, vector<16xi32>
      %add3A_990 = arith.addi %add3A_979, %select_n3A_989 : vector<16xi32>
      %add3A_991 = arith.constant 15 : i32
      %add3A_992 = vector.broadcast %add3A_991 : i32 to vector<16xi32>
      %add3A_993 = arith.addi %add3A_990, %add3A_992 : vector<16xi32>
      %gather3A_994 = tpu.vector_load_idx %arg7[%add3A_993] : memref<128xf32, #tpu.memory_space<vmem>>[vector<16xi32>], vector<16xf32>,
      %le3A_995 = arith.cmpf ole, %gather3A_994, %get3A_963 : vector<16xf32>
      %jit3A_996 = arith.constant 16 : i32
      %jit3A_997 = arith.constant 0 : i32
      %broadcast_in_dim3A_998 = vector.broadcast %jit3A_996 : i32 to vector<16xi32>
      %broadcast_in_dim3A_999 = vector.broadcast %jit3A_997 : i32 to vector<16xi32>
      %select_n3A_1000 = arith.select %le3A_995, %broadcast_in_dim3A_998, %broadcast_in_dim3A_999 : vector<16xi1>, vector<16xi32>
      %add3A_1001 = arith.addi %add3A_990, %select_n3A_1000 : vector<16xi32>
      %add3A_1002 = arith.constant 7 : i32
      %add3A_1003 = vector.broadcast %add3A_1002 : i32 to vector<16xi32>
      %add3A_1004 = arith.addi %add3A_1001, %add3A_1003 : vector<16xi32>
      %gather3A_1005 = tpu.vector_load_idx %arg7[%add3A_1004] : memref<128xf32, #tpu.memory_space<vmem>>[vector<16xi32>], vector<16xf32>,
      %le3A_1006 = arith.cmpf ole, %gather3A_1005, %get3A_963 : vector<16xf32>
      %jit3A_1007 = arith.constant 8 : i32
      %jit3A_1008 = arith.constant 0 : i32
      %broadcast_in_dim3A_1009 = vector.broadcast %jit3A_1007 : i32 to vector<16xi32>
      %broadcast_in_dim3A_1010 = vector.broadcast %jit3A_1008 : i32 to vector<16xi32>
      %select_n3A_1011 = arith.select %le3A_1006, %broadcast_in_dim3A_1009, %broadcast_in_dim3A_1010 : vector<16xi1>, vector<16xi32>
      %add3A_1012 = arith.addi %add3A_1001, %select_n3A_1011 : vector<16xi32>
      %add3A_1013 = arith.constant 3 : i32
      %add3A_1014 = vector.broadcast %add3A_1013 : i32 to vector<16xi32>
      %add3A_1015 = arith.addi %add3A_1012, %add3A_1014 : vector<16xi32>
      %gather3A_1016 = tpu.vector_load_idx %arg7[%add3A_1015] : memref<128xf32, #tpu.memory_space<vmem>>[vector<16xi32>], vector<16xf32>,
      %le3A_1017 = arith.cmpf ole, %gather3A_1016, %get3A_963 : vector<16xf32>
      %jit3A_1018 = arith.constant 4 : i32
      %jit3A_1019 = arith.constant 0 : i32
      %broadcast_in_dim3A_1020 = vector.broadcast %jit3A_1018 : i32 to vector<16xi32>
      %broadcast_in_dim3A_1021 = vector.broadcast %jit3A_1019 : i32 to vector<16xi32>
      %select_n3A_1022 = arith.select %le3A_1017, %broadcast_in_dim3A_1020, %broadcast_in_dim3A_1021 : vector<16xi1>, vector<16xi32>
      %add3A_1023 = arith.addi %add3A_1012, %select_n3A_1022 : vector<16xi32>
      %add3A_1024 = arith.constant 1 : i32
      %add3A_1025 = vector.broadcast %add3A_1024 : i32 to vector<16xi32>
      %add3A_1026 = arith.addi %add3A_1023, %add3A_1025 : vector<16xi32>
      %gather3A_1027 = tpu.vector_load_idx %arg7[%add3A_1026] : memref<128xf32, #tpu.memory_space<vmem>>[vector<16xi32>], vector<16xf32>,
      %le3A_1028 = arith.cmpf ole, %gather3A_1027, %get3A_963 : vector<16xf32>
      %jit3A_1029 = arith.constant 2 : i32
      %jit3A_1030 = arith.constant 0 : i32
      %broadcast_in_dim3A_1031 = vector.broadcast %jit3A_1029 : i32 to vector<16xi32>
      %broadcast_in_dim3A_1032 = vector.broadcast %jit3A_1030 : i32 to vector<16xi32>
      %select_n3A_1033 = arith.select %le3A_1028, %broadcast_in_dim3A_1031, %broadcast_in_dim3A_1032 : vector<16xi1>, vector<16xi32>
      %add3A_1034 = arith.addi %add3A_1023, %select_n3A_1033 : vector<16xi32>
      %add3A_1035 = arith.constant 0 : i32
      %add3A_1036 = vector.broadcast %add3A_1035 : i32 to vector<16xi32>
      %add3A_1037 = arith.addi %add3A_1034, %add3A_1036 : vector<16xi32>
      %gather3A_1038 = tpu.vector_load_idx %arg7[%add3A_1037] : memref<128xf32, #tpu.memory_space<vmem>>[vector<16xi32>], vector<16xf32>,
      %le3A_1039 = arith.cmpf ole, %gather3A_1038, %get3A_963 : vector<16xf32>
      %jit3A_1040 = arith.constant 1 : i32
      %jit3A_1041 = arith.constant 0 : i32
      %broadcast_in_dim3A_1042 = vector.broadcast %jit3A_1040 : i32 to vector<16xi32>
      %broadcast_in_dim3A_1043 = vector.broadcast %jit3A_1041 : i32 to vector<16xi32>
      %select_n3A_1044 = arith.select %le3A_1039, %broadcast_in_dim3A_1042, %broadcast_in_dim3A_1043 : vector<16xi1>, vector<16xi32>
      %add3A_1045 = arith.addi %add3A_1034, %select_n3A_1044 : vector<16xi32>
      %gather3A_1046 = tpu.vector_load_idx %arg7[%add3A_1045] : memref<128xf32, #tpu.memory_space<vmem>>[vector<16xi32>], vector<16xf32>,
      %le3A_1047 = arith.cmpf ole, %gather3A_1046, %get3A_963 : vector<16xf32>
      %jit3A_1048 = arith.constant 1 : i32
      %jit3A_1049 = arith.constant 0 : i32
      %broadcast_in_dim3A_1050 = vector.broadcast %jit3A_1048 : i32 to vector<16xi32>
      %broadcast_in_dim3A_1051 = vector.broadcast %jit3A_1049 : i32 to vector<16xi32>
      %select_n3A_1052 = arith.select %le3A_1047, %broadcast_in_dim3A_1050, %broadcast_in_dim3A_1051 : vector<16xi1>, vector<16xi32>
      %add3A_1053 = arith.addi %add3A_1045, %select_n3A_1052 : vector<16xi32>
      %min3A_1054 = arith.constant 127 : i32
      %min3A_1055 = vector.broadcast %min3A_1054 : i32 to vector<16xi32>
      %min3A_1056 = arith.minsi %add3A_1053, %min3A_1055 : vector<16xi32>
      %sub3A_1057 = arith.constant 1 : i32
      %sub3A_1058 = vector.broadcast %sub3A_1057 : i32 to vector<16xi32>
      %sub3A_1059 = arith.subi %add3A_1053, %sub3A_1058 : vector<16xi32>
      %max3A_1060 = arith.constant 0 : i32
      %max3A_1061 = vector.broadcast %max3A_1060 : i32 to vector<16xi32>
      %max3A_1062 = arith.maxsi %sub3A_1059, %max3A_1061 : vector<16xi32>
      %select_n3A_1063 = arith.select %le3A_1047, %min3A_1056, %max3A_1062 : vector<16xi1>, vector<16xi32>
      %gather3A_1064 = tpu.vector_load_idx %arg7[%select_n3A_1063] : memref<128xf32, #tpu.memory_space<vmem>>[vector<16xi32>], vector<16xf32>,
      %select_n3A_1065 = arith.select %le3A_1047, %gather3A_1046, %gather3A_1064 : vector<16xi1>, vector<16xf32>
      %select_n3A_1066 = arith.select %le3A_1047, %gather3A_1064, %gather3A_1046 : vector<16xi1>, vector<16xf32>
      %gt3A_1067 = arith.constant 0 : i32
      %gt3A_1068 = vector.broadcast %gt3A_1067 : i32 to vector<16xi32>
      %gt3A_1069 = arith.cmpi sgt, %add3A_1053, %gt3A_1068 : vector<16xi32>
      %sub3A_1070 = arith.subf %get3A_963, %select_n3A_1065 : vector<16xf32>
      %broadcast_in_dim3A_1071 = vector.broadcast %scan3A : f32 to vector<16xf32>
      %select_n3A_1072 = arith.select %gt3A_1069, %sub3A_1070, %broadcast_in_dim3A_1071 : vector<16xi1>, vector<16xf32>
      %lt3A_1073 = arith.constant 128 : i32
      %lt3A_1074 = vector.broadcast %lt3A_1073 : i32 to vector<16xi32>
      %lt3A_1075 = arith.cmpi slt, %add3A_1053, %lt3A_1074 : vector<16xi32>
      %sub3A_1076 = arith.subf %select_n3A_1066, %get3A_963 : vector<16xf32>
      %broadcast_in_dim3A_1077 = vector.broadcast %scan3A : f32 to vector<16xf32>
      %select_n3A_1078 = arith.select %lt3A_1075, %sub3A_1076, %broadcast_in_dim3A_1077 : vector<16xi1>, vector<16xf32>
      %min3A_1079 = arith.minimumf %select_n3A_1072, %select_n3A_1078 : vector<16xf32>
      %mul3A_1080 = arith.mulf %min3A_1079, %min3A_1079 : vector<16xf32>
      %jit3A_1081 = arith.constant 0.000000e+00 : f32
      %broadcast_in_dim3A_1082 = vector.broadcast %jit3A_1081 : f32 to vector<16xf32>
      %select_n3A_1083 = arith.select %ge3A_966, %mul3A_1080, %broadcast_in_dim3A_1082 : vector<16xi1>, vector<16xf32>
      %add3A_1084 = arith.addf %add3A_949, %select_n3A_1083 : vector<16xf32>
      %jit3A_1085 = arith.constant 1.000000e+00 : f32
      %jit3A_1086 = arith.constant 0.000000e+00 : f32
      %broadcast_in_dim3A_1087 = vector.broadcast %jit3A_1085 : f32 to vector<16xf32>
      %broadcast_in_dim3A_1088 = vector.broadcast %jit3A_1086 : f32 to vector<16xf32>
      %select_n3A_1089 = arith.select %ge3A_966, %broadcast_in_dim3A_1087, %broadcast_in_dim3A_1088 : vector<16xi1>, vector<16xf32>
      %add3A_1090 = arith.addf %add3A_955, %select_n3A_1089 : vector<16xf32>
      %broadcast_in_dim3A_1091 = vector.broadcast %scan3A : f32 to vector<16xf32>
      %select_n3A_1092 = arith.select %ge3A_563, %get3A_561, %broadcast_in_dim3A_1091 : vector<16xi1>, vector<16xf32>
      %neg3A_1093 = arith.constant 0.000000e+00 : f32
      %neg3A_1094 = arith.subf %neg3A_1093, %scan3A : f32
      %broadcast_in_dim3A_1095 = vector.broadcast %neg3A_1094 : f32 to vector<16xf32>
      %select_n3A_1096 = arith.select %ge3A_563, %get3A_561, %broadcast_in_dim3A_1095 : vector<16xi1>, vector<16xf32>
      %while3A = scf.while (%while3A_1118 = %ge3A_563) : (vector<16xi1>) -> vector<16xi1> {
        %convert_element_type3A = arith.extui %while3A_1118 : vector<16xi1> to vector<16xi32>
        %reduce_max3A = arith.constant true
        %reduce_max3A_1119 = vector.broadcast %reduce_max3A : i1 to vector<16xi1>
        %reduce_max3A_1120 = arith.constant -2147483648 : i32
        %reduce_max3A_1121 = vector.broadcast %reduce_max3A_1120 : i32 to vector<16xi32>
        %reduce_max3A_1122 = arith.xori %convert_element_type3A, %reduce_max3A_1121 : vector<16xi32>
        %reduce_max3A_1123 = tpu.scan <max>, %reduce_max3A_1122 masked %reduce_max3A_1119 : vector<16xi32>, vector<16xi1> -> vector<16xi32>
        %reduce_max3A_1124 = arith.xori %reduce_max3A_1123, %reduce_max3A_1121 : vector<16xi32>
        %reduce_max3A_1125 = vector.extract %reduce_max3A_1124[15] : i32 from vector<16xi32>
        %gt3A_1126 = arith.constant 0 : i32
        %gt3A_1127 = arith.cmpi sgt, %reduce_max3A_1125, %gt3A_1126 : i32
        scf.condition(%gt3A_1127) %while3A_1118 : vector<16xi1>
      } do {
      ^bb0(%while3A_1118: vector<16xi1>):
        %gather3A_1119 = tpu.vector_load_idx %arg9[%add3A_649] : memref<144xf32, #tpu.memory_space<vmem>>[vector<16xi32>], vector<16xf32>,
        %min3A_1120 = arith.minimumf %gather3A_1119, %select_n3A_1092 : vector<16xf32>
        tpu.vector_store_idx %arg9[%add3A_649], %min3A_1120 masked %while3A_1118 : memref<144xf32, #tpu.memory_space<vmem>>[vector<16xi32>], vector<16xf32>, vector<16xi1>
        %gather3A_1121 = tpu.vector_load_idx %arg10[%add3A_649] : memref<144xf32, #tpu.memory_space<vmem>>[vector<16xi32>], vector<16xf32>,
        %max3A_1122 = arith.maximumf %gather3A_1121, %select_n3A_1096 : vector<16xf32>
        tpu.vector_store_idx %arg10[%add3A_649], %max3A_1122 masked %while3A_1118 : memref<144xf32, #tpu.memory_space<vmem>>[vector<16xi32>], vector<16xf32>, vector<16xi1>
        %gather3A_1123 = tpu.vector_load_idx %arg9[%add3A_649] : memref<144xf32, #tpu.memory_space<vmem>>[vector<16xi32>], vector<16xf32>,
        %gather3A_1124 = tpu.vector_load_idx %arg10[%add3A_649] : memref<144xf32, #tpu.memory_space<vmem>>[vector<16xi32>], vector<16xf32>,
        %gt3A_1125 = arith.cmpf ogt, %gather3A_1123, %select_n3A_1092 : vector<16xf32>
        %lt3A_1126 = arith.cmpf olt, %gather3A_1124, %select_n3A_1096 : vector<16xf32>
        %or3A = arith.ori %gt3A_1125, %lt3A_1126 : vector<16xi1>
        %and3A_1127 = arith.andi %while3A_1118, %or3A : vector<16xi1>
        scf.yield %and3A_1127 : vector<16xi1>
      }
      %broadcast_in_dim3A_1097 = vector.broadcast %scan3A : f32 to vector<16xf32>
      %select_n3A_1098 = arith.select %ge3A_696, %get3A_693, %broadcast_in_dim3A_1097 : vector<16xi1>, vector<16xf32>
      %neg3A_1099 = arith.constant 0.000000e+00 : f32
      %neg3A_1100 = arith.subf %neg3A_1099, %scan3A : f32
      %broadcast_in_dim3A_1101 = vector.broadcast %neg3A_1100 : f32 to vector<16xf32>
      %select_n3A_1102 = arith.select %ge3A_696, %get3A_693, %broadcast_in_dim3A_1101 : vector<16xi1>, vector<16xf32>
      %while3A_1103 = scf.while (%while3A_1118 = %ge3A_696) : (vector<16xi1>) -> vector<16xi1> {
        %convert_element_type3A = arith.extui %while3A_1118 : vector<16xi1> to vector<16xi32>
        %reduce_max3A = arith.constant true
        %reduce_max3A_1119 = vector.broadcast %reduce_max3A : i1 to vector<16xi1>
        %reduce_max3A_1120 = arith.constant -2147483648 : i32
        %reduce_max3A_1121 = vector.broadcast %reduce_max3A_1120 : i32 to vector<16xi32>
        %reduce_max3A_1122 = arith.xori %convert_element_type3A, %reduce_max3A_1121 : vector<16xi32>
        %reduce_max3A_1123 = tpu.scan <max>, %reduce_max3A_1122 masked %reduce_max3A_1119 : vector<16xi32>, vector<16xi1> -> vector<16xi32>
        %reduce_max3A_1124 = arith.xori %reduce_max3A_1123, %reduce_max3A_1121 : vector<16xi32>
        %reduce_max3A_1125 = vector.extract %reduce_max3A_1124[15] : i32 from vector<16xi32>
        %gt3A_1126 = arith.constant 0 : i32
        %gt3A_1127 = arith.cmpi sgt, %reduce_max3A_1125, %gt3A_1126 : i32
        scf.condition(%gt3A_1127) %while3A_1118 : vector<16xi1>
      } do {
      ^bb0(%while3A_1118: vector<16xi1>):
        %gather3A_1119 = tpu.vector_load_idx %arg9[%add3A_783] : memref<144xf32, #tpu.memory_space<vmem>>[vector<16xi32>], vector<16xf32>,
        %min3A_1120 = arith.minimumf %gather3A_1119, %select_n3A_1098 : vector<16xf32>
        tpu.vector_store_idx %arg9[%add3A_783], %min3A_1120 masked %while3A_1118 : memref<144xf32, #tpu.memory_space<vmem>>[vector<16xi32>], vector<16xf32>, vector<16xi1>
        %gather3A_1121 = tpu.vector_load_idx %arg10[%add3A_783] : memref<144xf32, #tpu.memory_space<vmem>>[vector<16xi32>], vector<16xf32>,
        %max3A_1122 = arith.maximumf %gather3A_1121, %select_n3A_1102 : vector<16xf32>
        tpu.vector_store_idx %arg10[%add3A_783], %max3A_1122 masked %while3A_1118 : memref<144xf32, #tpu.memory_space<vmem>>[vector<16xi32>], vector<16xf32>, vector<16xi1>
        %gather3A_1123 = tpu.vector_load_idx %arg9[%add3A_783] : memref<144xf32, #tpu.memory_space<vmem>>[vector<16xi32>], vector<16xf32>,
        %gather3A_1124 = tpu.vector_load_idx %arg10[%add3A_783] : memref<144xf32, #tpu.memory_space<vmem>>[vector<16xi32>], vector<16xf32>,
        %gt3A_1125 = arith.cmpf ogt, %gather3A_1123, %select_n3A_1098 : vector<16xf32>
        %lt3A_1126 = arith.cmpf olt, %gather3A_1124, %select_n3A_1102 : vector<16xf32>
        %or3A = arith.ori %gt3A_1125, %lt3A_1126 : vector<16xi1>
        %and3A_1127 = arith.andi %while3A_1118, %or3A : vector<16xi1>
        scf.yield %and3A_1127 : vector<16xi1>
      }
      %broadcast_in_dim3A_1104 = vector.broadcast %scan3A : f32 to vector<16xf32>
      %select_n3A_1105 = arith.select %ge3A_831, %get3A_828, %broadcast_in_dim3A_1104 : vector<16xi1>, vector<16xf32>
      %neg3A_1106 = arith.constant 0.000000e+00 : f32
      %neg3A_1107 = arith.subf %neg3A_1106, %scan3A : f32
      %broadcast_in_dim3A_1108 = vector.broadcast %neg3A_1107 : f32 to vector<16xf32>
      %select_n3A_1109 = arith.select %ge3A_831, %get3A_828, %broadcast_in_dim3A_1108 : vector<16xi1>, vector<16xf32>
      %while3A_1110 = scf.while (%while3A_1118 = %ge3A_831) : (vector<16xi1>) -> vector<16xi1> {
        %convert_element_type3A = arith.extui %while3A_1118 : vector<16xi1> to vector<16xi32>
        %reduce_max3A = arith.constant true
        %reduce_max3A_1119 = vector.broadcast %reduce_max3A : i1 to vector<16xi1>
        %reduce_max3A_1120 = arith.constant -2147483648 : i32
        %reduce_max3A_1121 = vector.broadcast %reduce_max3A_1120 : i32 to vector<16xi32>
        %reduce_max3A_1122 = arith.xori %convert_element_type3A, %reduce_max3A_1121 : vector<16xi32>
        %reduce_max3A_1123 = tpu.scan <max>, %reduce_max3A_1122 masked %reduce_max3A_1119 : vector<16xi32>, vector<16xi1> -> vector<16xi32>
        %reduce_max3A_1124 = arith.xori %reduce_max3A_1123, %reduce_max3A_1121 : vector<16xi32>
        %reduce_max3A_1125 = vector.extract %reduce_max3A_1124[15] : i32 from vector<16xi32>
        %gt3A_1126 = arith.constant 0 : i32
        %gt3A_1127 = arith.cmpi sgt, %reduce_max3A_1125, %gt3A_1126 : i32
        scf.condition(%gt3A_1127) %while3A_1118 : vector<16xi1>
      } do {
      ^bb0(%while3A_1118: vector<16xi1>):
        %gather3A_1119 = tpu.vector_load_idx %arg9[%add3A_918] : memref<144xf32, #tpu.memory_space<vmem>>[vector<16xi32>], vector<16xf32>,
        %min3A_1120 = arith.minimumf %gather3A_1119, %select_n3A_1105 : vector<16xf32>
        tpu.vector_store_idx %arg9[%add3A_918], %min3A_1120 masked %while3A_1118 : memref<144xf32, #tpu.memory_space<vmem>>[vector<16xi32>], vector<16xf32>, vector<16xi1>
        %gather3A_1121 = tpu.vector_load_idx %arg10[%add3A_918] : memref<144xf32, #tpu.memory_space<vmem>>[vector<16xi32>], vector<16xf32>,
        %max3A_1122 = arith.maximumf %gather3A_1121, %select_n3A_1109 : vector<16xf32>
        tpu.vector_store_idx %arg10[%add3A_918], %max3A_1122 masked %while3A_1118 : memref<144xf32, #tpu.memory_space<vmem>>[vector<16xi32>], vector<16xf32>, vector<16xi1>
        %gather3A_1123 = tpu.vector_load_idx %arg9[%add3A_918] : memref<144xf32, #tpu.memory_space<vmem>>[vector<16xi32>], vector<16xf32>,
        %gather3A_1124 = tpu.vector_load_idx %arg10[%add3A_918] : memref<144xf32, #tpu.memory_space<vmem>>[vector<16xi32>], vector<16xf32>,
        %gt3A_1125 = arith.cmpf ogt, %gather3A_1123, %select_n3A_1105 : vector<16xf32>
        %lt3A_1126 = arith.cmpf olt, %gather3A_1124, %select_n3A_1109 : vector<16xf32>
        %or3A = arith.ori %gt3A_1125, %lt3A_1126 : vector<16xi1>
        %and3A_1127 = arith.andi %while3A_1118, %or3A : vector<16xi1>
        scf.yield %and3A_1127 : vector<16xi1>
      }
      %broadcast_in_dim3A_1111 = vector.broadcast %scan3A : f32 to vector<16xf32>
      %select_n3A_1112 = arith.select %ge3A_966, %get3A_963, %broadcast_in_dim3A_1111 : vector<16xi1>, vector<16xf32>
      %neg3A_1113 = arith.constant 0.000000e+00 : f32
      %neg3A_1114 = arith.subf %neg3A_1113, %scan3A : f32
      %broadcast_in_dim3A_1115 = vector.broadcast %neg3A_1114 : f32 to vector<16xf32>
      %select_n3A_1116 = arith.select %ge3A_966, %get3A_963, %broadcast_in_dim3A_1115 : vector<16xi1>, vector<16xf32>
      %while3A_1117 = scf.while (%while3A_1118 = %ge3A_966) : (vector<16xi1>) -> vector<16xi1> {
        %convert_element_type3A = arith.extui %while3A_1118 : vector<16xi1> to vector<16xi32>
        %reduce_max3A = arith.constant true
        %reduce_max3A_1119 = vector.broadcast %reduce_max3A : i1 to vector<16xi1>
        %reduce_max3A_1120 = arith.constant -2147483648 : i32
        %reduce_max3A_1121 = vector.broadcast %reduce_max3A_1120 : i32 to vector<16xi32>
        %reduce_max3A_1122 = arith.xori %convert_element_type3A, %reduce_max3A_1121 : vector<16xi32>
        %reduce_max3A_1123 = tpu.scan <max>, %reduce_max3A_1122 masked %reduce_max3A_1119 : vector<16xi32>, vector<16xi1> -> vector<16xi32>
        %reduce_max3A_1124 = arith.xori %reduce_max3A_1123, %reduce_max3A_1121 : vector<16xi32>
        %reduce_max3A_1125 = vector.extract %reduce_max3A_1124[15] : i32 from vector<16xi32>
        %gt3A_1126 = arith.constant 0 : i32
        %gt3A_1127 = arith.cmpi sgt, %reduce_max3A_1125, %gt3A_1126 : i32
        scf.condition(%gt3A_1127) %while3A_1118 : vector<16xi1>
      } do {
      ^bb0(%while3A_1118: vector<16xi1>):
        %gather3A_1119 = tpu.vector_load_idx %arg9[%add3A_1053] : memref<144xf32, #tpu.memory_space<vmem>>[vector<16xi32>], vector<16xf32>,
        %min3A_1120 = arith.minimumf %gather3A_1119, %select_n3A_1112 : vector<16xf32>
        tpu.vector_store_idx %arg9[%add3A_1053], %min3A_1120 masked %while3A_1118 : memref<144xf32, #tpu.memory_space<vmem>>[vector<16xi32>], vector<16xf32>, vector<16xi1>
        %gather3A_1121 = tpu.vector_load_idx %arg10[%add3A_1053] : memref<144xf32, #tpu.memory_space<vmem>>[vector<16xi32>], vector<16xf32>,
        %max3A_1122 = arith.maximumf %gather3A_1121, %select_n3A_1116 : vector<16xf32>
        tpu.vector_store_idx %arg10[%add3A_1053], %max3A_1122 masked %while3A_1118 : memref<144xf32, #tpu.memory_space<vmem>>[vector<16xi32>], vector<16xf32>, vector<16xi1>
        %gather3A_1123 = tpu.vector_load_idx %arg9[%add3A_1053] : memref<144xf32, #tpu.memory_space<vmem>>[vector<16xi32>], vector<16xf32>,
        %gather3A_1124 = tpu.vector_load_idx %arg10[%add3A_1053] : memref<144xf32, #tpu.memory_space<vmem>>[vector<16xi32>], vector<16xf32>,
        %gt3A_1125 = arith.cmpf ogt, %gather3A_1123, %select_n3A_1112 : vector<16xf32>
        %lt3A_1126 = arith.cmpf olt, %gather3A_1124, %select_n3A_1116 : vector<16xf32>
        %or3A = arith.ori %gt3A_1125, %lt3A_1126 : vector<16xi1>
        %and3A_1127 = arith.andi %while3A_1118, %or3A : vector<16xi1>
        scf.yield %and3A_1127 : vector<16xi1>
      }
      scf.yield %add3A_1084, %add3A_1090 : vector<16xf32>, vector<16xf32>
    }
    %scan3A_83 = arith.constant 98 : i32
    %swap3A_84 = arith.constant 0 : index
    %swap3A_85 = tpu.vector_load %arg12[%swap3A_84] {strides = array<i32>} : memref<16xf32, #tpu.memory_space<vmem>>, vector<16xf32>,
    tpu.vector_store %arg12[%swap3A_84], %scan3A_82#0 {strides = array<i32>} : memref<16xf32, #tpu.memory_space<vmem>>, vector<16xf32>,
    %swap3A_86 = arith.constant 0 : index
    %swap3A_87 = tpu.vector_load %arg13[%swap3A_86] {strides = array<i32>} : memref<16xf32, #tpu.memory_space<vmem>>, vector<16xf32>,
    tpu.vector_store %arg13[%swap3A_86], %scan3A_82#1 {strides = array<i32>} : memref<16xf32, #tpu.memory_space<vmem>>, vector<16xf32>,
    "tpu.region"() ({
      %run_scoped3A = tpu.sem_alloc : memref<!tpu.dma_semaphore, #tpu.memory_space<semaphore_mem>>
      %dma_start3A = arith.constant 0 : i32
      %dma_start3A_551 = tpu.memref_slice %arg5[%add3A, %dma_start3A] : memref<32x16xf32, #tpu.memory_space<hbm>> -> memref<1x16xf32, #tpu.memory_space<hbm>>
      %dma_start3A_552 = tpu.memref_squeeze %dma_start3A_551 : memref<1x16xf32, #tpu.memory_space<hbm>> -> memref<16xf32, #tpu.memory_space<hbm>>
      %dma_start3A_553 = arith.constant 0 : i32
      %dma_start3A_554 = tpu.memref_slice %arg5[%add3A, %dma_start3A_553] : memref<32x16xf32, #tpu.memory_space<hbm>> -> memref<1x16xf32, #tpu.memory_space<hbm>>
      %dma_start3A_555 = tpu.memref_squeeze %dma_start3A_554 : memref<1x16xf32, #tpu.memory_space<hbm>> -> memref<16xf32, #tpu.memory_space<hbm>>
      tpu.enqueue_dma source(%arg12 : memref<16xf32, #tpu.memory_space<vmem>>) target(%dma_start3A_555 : memref<16xf32, #tpu.memory_space<hbm>>) target_semaphore(%run_scoped3A : memref<!tpu.dma_semaphore, #tpu.memory_space<semaphore_mem>>)
      %dma_wait3A = arith.constant 0 : i32
      %dma_wait3A_556 = tpu.memref_slice %arg5[%add3A, %dma_wait3A] : memref<32x16xf32, #tpu.memory_space<hbm>> -> memref<1x16xf32, #tpu.memory_space<hbm>>
      %dma_wait3A_557 = tpu.memref_squeeze %dma_wait3A_556 : memref<1x16xf32, #tpu.memory_space<hbm>> -> memref<16xf32, #tpu.memory_space<hbm>>
      %dma_wait3A_558 = arith.constant 0 : i32
      %dma_wait3A_559 = tpu.memref_slice %arg5[%add3A, %dma_wait3A_558] : memref<32x16xf32, #tpu.memory_space<hbm>> -> memref<1x16xf32, #tpu.memory_space<hbm>>
      %dma_wait3A_560 = tpu.memref_squeeze %dma_wait3A_559 : memref<1x16xf32, #tpu.memory_space<hbm>> -> memref<16xf32, #tpu.memory_space<hbm>>
      tpu.wait_dma2 semaphore(%run_scoped3A : memref<!tpu.dma_semaphore, #tpu.memory_space<semaphore_mem>>) src(%arg12 : memref<16xf32, #tpu.memory_space<vmem>>) dst(%dma_wait3A_560 : memref<16xf32, #tpu.memory_space<hbm>>)
      tpu.yield
    }) : () -> ()
    "tpu.region"() ({
      %run_scoped3A = tpu.sem_alloc : memref<!tpu.dma_semaphore, #tpu.memory_space<semaphore_mem>>
      %dma_start3A = arith.constant 0 : i32
      %dma_start3A_551 = tpu.memref_slice %arg6[%add3A, %dma_start3A] : memref<32x16xf32, #tpu.memory_space<hbm>> -> memref<1x16xf32, #tpu.memory_space<hbm>>
      %dma_start3A_552 = tpu.memref_squeeze %dma_start3A_551 : memref<1x16xf32, #tpu.memory_space<hbm>> -> memref<16xf32, #tpu.memory_space<hbm>>
      %dma_start3A_553 = arith.constant 0 : i32
      %dma_start3A_554 = tpu.memref_slice %arg6[%add3A, %dma_start3A_553] : memref<32x16xf32, #tpu.memory_space<hbm>> -> memref<1x16xf32, #tpu.memory_space<hbm>>
      %dma_start3A_555 = tpu.memref_squeeze %dma_start3A_554 : memref<1x16xf32, #tpu.memory_space<hbm>> -> memref<16xf32, #tpu.memory_space<hbm>>
      tpu.enqueue_dma source(%arg13 : memref<16xf32, #tpu.memory_space<vmem>>) target(%dma_start3A_555 : memref<16xf32, #tpu.memory_space<hbm>>) target_semaphore(%run_scoped3A : memref<!tpu.dma_semaphore, #tpu.memory_space<semaphore_mem>>)
      %dma_wait3A = arith.constant 0 : i32
      %dma_wait3A_556 = tpu.memref_slice %arg6[%add3A, %dma_wait3A] : memref<32x16xf32, #tpu.memory_space<hbm>> -> memref<1x16xf32, #tpu.memory_space<hbm>>
      %dma_wait3A_557 = tpu.memref_squeeze %dma_wait3A_556 : memref<1x16xf32, #tpu.memory_space<hbm>> -> memref<16xf32, #tpu.memory_space<hbm>>
      %dma_wait3A_558 = arith.constant 0 : i32
      %dma_wait3A_559 = tpu.memref_slice %arg6[%add3A, %dma_wait3A_558] : memref<32x16xf32, #tpu.memory_space<hbm>> -> memref<1x16xf32, #tpu.memory_space<hbm>>
      %dma_wait3A_560 = tpu.memref_squeeze %dma_wait3A_559 : memref<1x16xf32, #tpu.memory_space<hbm>> -> memref<16xf32, #tpu.memory_space<hbm>>
      tpu.wait_dma2 semaphore(%run_scoped3A : memref<!tpu.dma_semaphore, #tpu.memory_space<semaphore_mem>>) src(%arg13 : memref<16xf32, #tpu.memory_space<vmem>>) dst(%dma_wait3A_560 : memref<16xf32, #tpu.memory_space<hbm>>)
      tpu.yield
    }) : () -> ()
    %get3A = arith.constant 0 : index
    %get3A_88 = tpu.vector_load %arg10[%get3A] {strides = array<i32>} : memref<144xf32, #tpu.memory_space<vmem>>, vector<16xf32>,
    %broadcast_in_dim3A_89 = arith.constant true
    %broadcast_in_dim3A_90 = vector.broadcast %broadcast_in_dim3A_89 : i1 to vector<16xi1>
    %masked_cummax3A = tpu.scan <max>, %get3A_88 masked %broadcast_in_dim3A_90 : vector<16xf32>, vector<16xi1> -> vector<16xf32>
    %max3A = arith.maximumf %masked_cummax3A, %broadcast_in_dim3A_33 : vector<16xf32>
    %swap3A_91 = arith.constant 0 : index
    %swap3A_92 = tpu.vector_load %arg10[%swap3A_91] {strides = array<i32>} : memref<144xf32, #tpu.memory_space<vmem>>, vector<16xf32>,
    tpu.vector_store %arg10[%swap3A_91], %max3A {strides = array<i32>} : memref<144xf32, #tpu.memory_space<vmem>>, vector<16xf32>,
    %broadcast_in_dim3A_93 = arith.constant 15 : i32
    %broadcast_in_dim3A_94 = vector.broadcast %broadcast_in_dim3A_93 : i32 to vector<16xi32>
    %gather3A = tpu.vector_load_idx %arg10[%broadcast_in_dim3A_94] : memref<144xf32, #tpu.memory_space<vmem>>[vector<16xi32>], vector<16xf32>,
    %get3A_95 = arith.constant 16 : index
    %get3A_96 = tpu.vector_load %arg10[%get3A_95] {strides = array<i32>} : memref<144xf32, #tpu.memory_space<vmem>>, vector<16xf32>,
    %broadcast_in_dim3A_97 = arith.constant true
    %broadcast_in_dim3A_98 = vector.broadcast %broadcast_in_dim3A_97 : i1 to vector<16xi1>
    %masked_cummax3A_99 = tpu.scan <max>, %get3A_96 masked %broadcast_in_dim3A_98 : vector<16xf32>, vector<16xi1> -> vector<16xf32>
    %max3A_100 = arith.maximumf %masked_cummax3A_99, %gather3A : vector<16xf32>
    %swap3A_101 = arith.constant 16 : index
    %swap3A_102 = tpu.vector_load %arg10[%swap3A_101] {strides = array<i32>} : memref<144xf32, #tpu.memory_space<vmem>>, vector<16xf32>,
    tpu.vector_store %arg10[%swap3A_101], %max3A_100 {strides = array<i32>} : memref<144xf32, #tpu.memory_space<vmem>>, vector<16xf32>,
    %broadcast_in_dim3A_103 = arith.constant 31 : i32
    %broadcast_in_dim3A_104 = vector.broadcast %broadcast_in_dim3A_103 : i32 to vector<16xi32>
    %gather3A_105 = tpu.vector_load_idx %arg10[%broadcast_in_dim3A_104] : memref<144xf32, #tpu.memory_space<vmem>>[vector<16xi32>], vector<16xf32>,
    %get3A_106 = arith.constant 32 : index
    %get3A_107 = tpu.vector_load %arg10[%get3A_106] {strides = array<i32>} : memref<144xf32, #tpu.memory_space<vmem>>, vector<16xf32>,
    %broadcast_in_dim3A_108 = arith.constant true
    %broadcast_in_dim3A_109 = vector.broadcast %broadcast_in_dim3A_108 : i1 to vector<16xi1>
    %masked_cummax3A_110 = tpu.scan <max>, %get3A_107 masked %broadcast_in_dim3A_109 : vector<16xf32>, vector<16xi1> -> vector<16xf32>
    %max3A_111 = arith.maximumf %masked_cummax3A_110, %gather3A_105 : vector<16xf32>
    %swap3A_112 = arith.constant 32 : index
    %swap3A_113 = tpu.vector_load %arg10[%swap3A_112] {strides = array<i32>} : memref<144xf32, #tpu.memory_space<vmem>>, vector<16xf32>,
    tpu.vector_store %arg10[%swap3A_112], %max3A_111 {strides = array<i32>} : memref<144xf32, #tpu.memory_space<vmem>>, vector<16xf32>,
    %broadcast_in_dim3A_114 = arith.constant 47 : i32
    %broadcast_in_dim3A_115 = vector.broadcast %broadcast_in_dim3A_114 : i32 to vector<16xi32>
    %gather3A_116 = tpu.vector_load_idx %arg10[%broadcast_in_dim3A_115] : memref<144xf32, #tpu.memory_space<vmem>>[vector<16xi32>], vector<16xf32>,
    %get3A_117 = arith.constant 48 : index
    %get3A_118 = tpu.vector_load %arg10[%get3A_117] {strides = array<i32>} : memref<144xf32, #tpu.memory_space<vmem>>, vector<16xf32>,
    %broadcast_in_dim3A_119 = arith.constant true
    %broadcast_in_dim3A_120 = vector.broadcast %broadcast_in_dim3A_119 : i1 to vector<16xi1>
    %masked_cummax3A_121 = tpu.scan <max>, %get3A_118 masked %broadcast_in_dim3A_120 : vector<16xf32>, vector<16xi1> -> vector<16xf32>
    %max3A_122 = arith.maximumf %masked_cummax3A_121, %gather3A_116 : vector<16xf32>
    %swap3A_123 = arith.constant 48 : index
    %swap3A_124 = tpu.vector_load %arg10[%swap3A_123] {strides = array<i32>} : memref<144xf32, #tpu.memory_space<vmem>>, vector<16xf32>,
    tpu.vector_store %arg10[%swap3A_123], %max3A_122 {strides = array<i32>} : memref<144xf32, #tpu.memory_space<vmem>>, vector<16xf32>,
    %broadcast_in_dim3A_125 = arith.constant 63 : i32
    %broadcast_in_dim3A_126 = vector.broadcast %broadcast_in_dim3A_125 : i32 to vector<16xi32>
    %gather3A_127 = tpu.vector_load_idx %arg10[%broadcast_in_dim3A_126] : memref<144xf32, #tpu.memory_space<vmem>>[vector<16xi32>], vector<16xf32>,
    %get3A_128 = arith.constant 64 : index
    %get3A_129 = tpu.vector_load %arg10[%get3A_128] {strides = array<i32>} : memref<144xf32, #tpu.memory_space<vmem>>, vector<16xf32>,
    %broadcast_in_dim3A_130 = arith.constant true
    %broadcast_in_dim3A_131 = vector.broadcast %broadcast_in_dim3A_130 : i1 to vector<16xi1>
    %masked_cummax3A_132 = tpu.scan <max>, %get3A_129 masked %broadcast_in_dim3A_131 : vector<16xf32>, vector<16xi1> -> vector<16xf32>
    %max3A_133 = arith.maximumf %masked_cummax3A_132, %gather3A_127 : vector<16xf32>
    %swap3A_134 = arith.constant 64 : index
    %swap3A_135 = tpu.vector_load %arg10[%swap3A_134] {strides = array<i32>} : memref<144xf32, #tpu.memory_space<vmem>>, vector<16xf32>,
    tpu.vector_store %arg10[%swap3A_134], %max3A_133 {strides = array<i32>} : memref<144xf32, #tpu.memory_space<vmem>>, vector<16xf32>,
    %broadcast_in_dim3A_136 = arith.constant 79 : i32
    %broadcast_in_dim3A_137 = vector.broadcast %broadcast_in_dim3A_136 : i32 to vector<16xi32>
    %gather3A_138 = tpu.vector_load_idx %arg10[%broadcast_in_dim3A_137] : memref<144xf32, #tpu.memory_space<vmem>>[vector<16xi32>], vector<16xf32>,
    %get3A_139 = arith.constant 80 : index
    %get3A_140 = tpu.vector_load %arg10[%get3A_139] {strides = array<i32>} : memref<144xf32, #tpu.memory_space<vmem>>, vector<16xf32>,
    %broadcast_in_dim3A_141 = arith.constant true
    %broadcast_in_dim3A_142 = vector.broadcast %broadcast_in_dim3A_141 : i1 to vector<16xi1>
    %masked_cummax3A_143 = tpu.scan <max>, %get3A_140 masked %broadcast_in_dim3A_142 : vector<16xf32>, vector<16xi1> -> vector<16xf32>
    %max3A_144 = arith.maximumf %masked_cummax3A_143, %gather3A_138 : vector<16xf32>
    %swap3A_145 = arith.constant 80 : index
    %swap3A_146 = tpu.vector_load %arg10[%swap3A_145] {strides = array<i32>} : memref<144xf32, #tpu.memory_space<vmem>>, vector<16xf32>,
    tpu.vector_store %arg10[%swap3A_145], %max3A_144 {strides = array<i32>} : memref<144xf32, #tpu.memory_space<vmem>>, vector<16xf32>,
    %broadcast_in_dim3A_147 = arith.constant 95 : i32
    %broadcast_in_dim3A_148 = vector.broadcast %broadcast_in_dim3A_147 : i32 to vector<16xi32>
    %gather3A_149 = tpu.vector_load_idx %arg10[%broadcast_in_dim3A_148] : memref<144xf32, #tpu.memory_space<vmem>>[vector<16xi32>], vector<16xf32>,
    %get3A_150 = arith.constant 96 : index
    %get3A_151 = tpu.vector_load %arg10[%get3A_150] {strides = array<i32>} : memref<144xf32, #tpu.memory_space<vmem>>, vector<16xf32>,
    %broadcast_in_dim3A_152 = arith.constant true
    %broadcast_in_dim3A_153 = vector.broadcast %broadcast_in_dim3A_152 : i1 to vector<16xi1>
    %masked_cummax3A_154 = tpu.scan <max>, %get3A_151 masked %broadcast_in_dim3A_153 : vector<16xf32>, vector<16xi1> -> vector<16xf32>
    %max3A_155 = arith.maximumf %masked_cummax3A_154, %gather3A_149 : vector<16xf32>
    %swap3A_156 = arith.constant 96 : index
    %swap3A_157 = tpu.vector_load %arg10[%swap3A_156] {strides = array<i32>} : memref<144xf32, #tpu.memory_space<vmem>>, vector<16xf32>,
    tpu.vector_store %arg10[%swap3A_156], %max3A_155 {strides = array<i32>} : memref<144xf32, #tpu.memory_space<vmem>>, vector<16xf32>,
    %broadcast_in_dim3A_158 = arith.constant 111 : i32
    %broadcast_in_dim3A_159 = vector.broadcast %broadcast_in_dim3A_158 : i32 to vector<16xi32>
    %gather3A_160 = tpu.vector_load_idx %arg10[%broadcast_in_dim3A_159] : memref<144xf32, #tpu.memory_space<vmem>>[vector<16xi32>], vector<16xf32>,
    %get3A_161 = arith.constant 112 : index
    %get3A_162 = tpu.vector_load %arg10[%get3A_161] {strides = array<i32>} : memref<144xf32, #tpu.memory_space<vmem>>, vector<16xf32>,
    %broadcast_in_dim3A_163 = arith.constant true
    %broadcast_in_dim3A_164 = vector.broadcast %broadcast_in_dim3A_163 : i1 to vector<16xi1>
    %masked_cummax3A_165 = tpu.scan <max>, %get3A_162 masked %broadcast_in_dim3A_164 : vector<16xf32>, vector<16xi1> -> vector<16xf32>
    %max3A_166 = arith.maximumf %masked_cummax3A_165, %gather3A_160 : vector<16xf32>
    %swap3A_167 = arith.constant 112 : index
    %swap3A_168 = tpu.vector_load %arg10[%swap3A_167] {strides = array<i32>} : memref<144xf32, #tpu.memory_space<vmem>>, vector<16xf32>,
    tpu.vector_store %arg10[%swap3A_167], %max3A_166 {strides = array<i32>} : memref<144xf32, #tpu.memory_space<vmem>>, vector<16xf32>,
    %broadcast_in_dim3A_169 = arith.constant 127 : i32
    %broadcast_in_dim3A_170 = vector.broadcast %broadcast_in_dim3A_169 : i32 to vector<16xi32>
    %gather3A_171 = tpu.vector_load_idx %arg10[%broadcast_in_dim3A_170] : memref<144xf32, #tpu.memory_space<vmem>>[vector<16xi32>], vector<16xf32>,
    %get3A_172 = arith.constant 128 : index
    %get3A_173 = tpu.vector_load %arg10[%get3A_172] {strides = array<i32>} : memref<144xf32, #tpu.memory_space<vmem>>, vector<16xf32>,
    %broadcast_in_dim3A_174 = arith.constant true
    %broadcast_in_dim3A_175 = vector.broadcast %broadcast_in_dim3A_174 : i1 to vector<16xi1>
    %masked_cummax3A_176 = tpu.scan <max>, %get3A_173 masked %broadcast_in_dim3A_175 : vector<16xf32>, vector<16xi1> -> vector<16xf32>
    %max3A_177 = arith.maximumf %masked_cummax3A_176, %gather3A_171 : vector<16xf32>
    %swap3A_178 = arith.constant 128 : index
    %swap3A_179 = tpu.vector_load %arg10[%swap3A_178] {strides = array<i32>} : memref<144xf32, #tpu.memory_space<vmem>>, vector<16xf32>,
    tpu.vector_store %arg10[%swap3A_178], %max3A_177 {strides = array<i32>} : memref<144xf32, #tpu.memory_space<vmem>>, vector<16xf32>,
    %broadcast_in_dim3A_180 = arith.constant 143 : i32
    %broadcast_in_dim3A_181 = vector.broadcast %broadcast_in_dim3A_180 : i32 to vector<16xi32>
    %gather3A_182 = tpu.vector_load_idx %arg10[%broadcast_in_dim3A_181] : memref<144xf32, #tpu.memory_space<vmem>>[vector<16xi32>], vector<16xf32>,
    %get3A_183 = arith.constant 128 : index
    %get3A_184 = tpu.vector_load %arg9[%get3A_183] {strides = array<i32>} : memref<144xf32, #tpu.memory_space<vmem>>, vector<16xf32>,
    %rev3A = arith.constant 15 : i32
    %rev3A_185 = vector.broadcast %rev3A : i32 to vector<16xi32>
    %rev3A_186 = tpu.iota {dimensions = array<i32: 0>} : vector<16xi32>
    %rev3A_187 = arith.subi %rev3A_185, %rev3A_186 : vector<16xi32>
    %rev3A_188 = tpu.dynamic_gather %get3A_184[%rev3A_187] in [0] : vector<16xf32>, vector<16xi32> -> vector<16xf32>
    %neg3A = arith.constant 0.000000e+00 : f32
    %neg3A_189 = vector.broadcast %neg3A : f32 to vector<16xf32>
    %neg3A_190 = arith.subf %neg3A_189, %rev3A_188 : vector<16xf32>
    %broadcast_in_dim3A_191 = arith.constant true
    %broadcast_in_dim3A_192 = vector.broadcast %broadcast_in_dim3A_191 : i1 to vector<16xi1>
    %masked_cummax3A_193 = tpu.scan <max>, %neg3A_190 masked %broadcast_in_dim3A_192 : vector<16xf32>, vector<16xi1> -> vector<16xf32>
    %neg3A_194 = arith.constant 0.000000e+00 : f32
    %neg3A_195 = vector.broadcast %neg3A_194 : f32 to vector<16xf32>
    %neg3A_196 = arith.subf %neg3A_195, %masked_cummax3A_193 : vector<16xf32>
    %min3A = arith.minimumf %neg3A_196, %broadcast_in_dim3A_31 : vector<16xf32>
    %rev3A_197 = arith.constant 15 : i32
    %rev3A_198 = vector.broadcast %rev3A_197 : i32 to vector<16xi32>
    %rev3A_199 = tpu.iota {dimensions = array<i32: 0>} : vector<16xi32>
    %rev3A_200 = arith.subi %rev3A_198, %rev3A_199 : vector<16xi32>
    %rev3A_201 = tpu.dynamic_gather %min3A[%rev3A_200] in [0] : vector<16xf32>, vector<16xi32> -> vector<16xf32>
    %swap3A_202 = arith.constant 128 : index
    %swap3A_203 = tpu.vector_load %arg9[%swap3A_202] {strides = array<i32>} : memref<144xf32, #tpu.memory_space<vmem>>, vector<16xf32>,
    tpu.vector_store %arg9[%swap3A_202], %rev3A_201 {strides = array<i32>} : memref<144xf32, #tpu.memory_space<vmem>>, vector<16xf32>,
    %broadcast_in_dim3A_204 = arith.constant 128 : i32
    %broadcast_in_dim3A_205 = vector.broadcast %broadcast_in_dim3A_204 : i32 to vector<16xi32>
    %gather3A_206 = tpu.vector_load_idx %arg9[%broadcast_in_dim3A_205] : memref<144xf32, #tpu.memory_space<vmem>>[vector<16xi32>], vector<16xf32>,
    %get3A_207 = arith.constant 112 : index
    %get3A_208 = tpu.vector_load %arg9[%get3A_207] {strides = array<i32>} : memref<144xf32, #tpu.memory_space<vmem>>, vector<16xf32>,
    %rev3A_209 = arith.constant 15 : i32
    %rev3A_210 = vector.broadcast %rev3A_209 : i32 to vector<16xi32>
    %rev3A_211 = tpu.iota {dimensions = array<i32: 0>} : vector<16xi32>
    %rev3A_212 = arith.subi %rev3A_210, %rev3A_211 : vector<16xi32>
    %rev3A_213 = tpu.dynamic_gather %get3A_208[%rev3A_212] in [0] : vector<16xf32>, vector<16xi32> -> vector<16xf32>
    %neg3A_214 = arith.constant 0.000000e+00 : f32
    %neg3A_215 = vector.broadcast %neg3A_214 : f32 to vector<16xf32>
    %neg3A_216 = arith.subf %neg3A_215, %rev3A_213 : vector<16xf32>
    %broadcast_in_dim3A_217 = arith.constant true
    %broadcast_in_dim3A_218 = vector.broadcast %broadcast_in_dim3A_217 : i1 to vector<16xi1>
    %masked_cummax3A_219 = tpu.scan <max>, %neg3A_216 masked %broadcast_in_dim3A_218 : vector<16xf32>, vector<16xi1> -> vector<16xf32>
    %neg3A_220 = arith.constant 0.000000e+00 : f32
    %neg3A_221 = vector.broadcast %neg3A_220 : f32 to vector<16xf32>
    %neg3A_222 = arith.subf %neg3A_221, %masked_cummax3A_219 : vector<16xf32>
    %min3A_223 = arith.minimumf %neg3A_222, %gather3A_206 : vector<16xf32>
    %rev3A_224 = arith.constant 15 : i32
    %rev3A_225 = vector.broadcast %rev3A_224 : i32 to vector<16xi32>
    %rev3A_226 = tpu.iota {dimensions = array<i32: 0>} : vector<16xi32>
    %rev3A_227 = arith.subi %rev3A_225, %rev3A_226 : vector<16xi32>
    %rev3A_228 = tpu.dynamic_gather %min3A_223[%rev3A_227] in [0] : vector<16xf32>, vector<16xi32> -> vector<16xf32>
    %swap3A_229 = arith.constant 112 : index
    %swap3A_230 = tpu.vector_load %arg9[%swap3A_229] {strides = array<i32>} : memref<144xf32, #tpu.memory_space<vmem>>, vector<16xf32>,
    tpu.vector_store %arg9[%swap3A_229], %rev3A_228 {strides = array<i32>} : memref<144xf32, #tpu.memory_space<vmem>>, vector<16xf32>,
    %broadcast_in_dim3A_231 = arith.constant 112 : i32
    %broadcast_in_dim3A_232 = vector.broadcast %broadcast_in_dim3A_231 : i32 to vector<16xi32>
    %gather3A_233 = tpu.vector_load_idx %arg9[%broadcast_in_dim3A_232] : memref<144xf32, #tpu.memory_space<vmem>>[vector<16xi32>], vector<16xf32>,
    %get3A_234 = arith.constant 96 : index
    %get3A_235 = tpu.vector_load %arg9[%get3A_234] {strides = array<i32>} : memref<144xf32, #tpu.memory_space<vmem>>, vector<16xf32>,
    %rev3A_236 = arith.constant 15 : i32
    %rev3A_237 = vector.broadcast %rev3A_236 : i32 to vector<16xi32>
    %rev3A_238 = tpu.iota {dimensions = array<i32: 0>} : vector<16xi32>
    %rev3A_239 = arith.subi %rev3A_237, %rev3A_238 : vector<16xi32>
    %rev3A_240 = tpu.dynamic_gather %get3A_235[%rev3A_239] in [0] : vector<16xf32>, vector<16xi32> -> vector<16xf32>
    %neg3A_241 = arith.constant 0.000000e+00 : f32
    %neg3A_242 = vector.broadcast %neg3A_241 : f32 to vector<16xf32>
    %neg3A_243 = arith.subf %neg3A_242, %rev3A_240 : vector<16xf32>
    %broadcast_in_dim3A_244 = arith.constant true
    %broadcast_in_dim3A_245 = vector.broadcast %broadcast_in_dim3A_244 : i1 to vector<16xi1>
    %masked_cummax3A_246 = tpu.scan <max>, %neg3A_243 masked %broadcast_in_dim3A_245 : vector<16xf32>, vector<16xi1> -> vector<16xf32>
    %neg3A_247 = arith.constant 0.000000e+00 : f32
    %neg3A_248 = vector.broadcast %neg3A_247 : f32 to vector<16xf32>
    %neg3A_249 = arith.subf %neg3A_248, %masked_cummax3A_246 : vector<16xf32>
    %min3A_250 = arith.minimumf %neg3A_249, %gather3A_233 : vector<16xf32>
    %rev3A_251 = arith.constant 15 : i32
    %rev3A_252 = vector.broadcast %rev3A_251 : i32 to vector<16xi32>
    %rev3A_253 = tpu.iota {dimensions = array<i32: 0>} : vector<16xi32>
    %rev3A_254 = arith.subi %rev3A_252, %rev3A_253 : vector<16xi32>
    %rev3A_255 = tpu.dynamic_gather %min3A_250[%rev3A_254] in [0] : vector<16xf32>, vector<16xi32> -> vector<16xf32>
    %swap3A_256 = arith.constant 96 : index
    %swap3A_257 = tpu.vector_load %arg9[%swap3A_256] {strides = array<i32>} : memref<144xf32, #tpu.memory_space<vmem>>, vector<16xf32>,
    tpu.vector_store %arg9[%swap3A_256], %rev3A_255 {strides = array<i32>} : memref<144xf32, #tpu.memory_space<vmem>>, vector<16xf32>,
    %broadcast_in_dim3A_258 = arith.constant 96 : i32
    %broadcast_in_dim3A_259 = vector.broadcast %broadcast_in_dim3A_258 : i32 to vector<16xi32>
    %gather3A_260 = tpu.vector_load_idx %arg9[%broadcast_in_dim3A_259] : memref<144xf32, #tpu.memory_space<vmem>>[vector<16xi32>], vector<16xf32>,
    %get3A_261 = arith.constant 80 : index
    %get3A_262 = tpu.vector_load %arg9[%get3A_261] {strides = array<i32>} : memref<144xf32, #tpu.memory_space<vmem>>, vector<16xf32>,
    %rev3A_263 = arith.constant 15 : i32
    %rev3A_264 = vector.broadcast %rev3A_263 : i32 to vector<16xi32>
    %rev3A_265 = tpu.iota {dimensions = array<i32: 0>} : vector<16xi32>
    %rev3A_266 = arith.subi %rev3A_264, %rev3A_265 : vector<16xi32>
    %rev3A_267 = tpu.dynamic_gather %get3A_262[%rev3A_266] in [0] : vector<16xf32>, vector<16xi32> -> vector<16xf32>
    %neg3A_268 = arith.constant 0.000000e+00 : f32
    %neg3A_269 = vector.broadcast %neg3A_268 : f32 to vector<16xf32>
    %neg3A_270 = arith.subf %neg3A_269, %rev3A_267 : vector<16xf32>
    %broadcast_in_dim3A_271 = arith.constant true
    %broadcast_in_dim3A_272 = vector.broadcast %broadcast_in_dim3A_271 : i1 to vector<16xi1>
    %masked_cummax3A_273 = tpu.scan <max>, %neg3A_270 masked %broadcast_in_dim3A_272 : vector<16xf32>, vector<16xi1> -> vector<16xf32>
    %neg3A_274 = arith.constant 0.000000e+00 : f32
    %neg3A_275 = vector.broadcast %neg3A_274 : f32 to vector<16xf32>
    %neg3A_276 = arith.subf %neg3A_275, %masked_cummax3A_273 : vector<16xf32>
    %min3A_277 = arith.minimumf %neg3A_276, %gather3A_260 : vector<16xf32>
    %rev3A_278 = arith.constant 15 : i32
    %rev3A_279 = vector.broadcast %rev3A_278 : i32 to vector<16xi32>
    %rev3A_280 = tpu.iota {dimensions = array<i32: 0>} : vector<16xi32>
    %rev3A_281 = arith.subi %rev3A_279, %rev3A_280 : vector<16xi32>
    %rev3A_282 = tpu.dynamic_gather %min3A_277[%rev3A_281] in [0] : vector<16xf32>, vector<16xi32> -> vector<16xf32>
    %swap3A_283 = arith.constant 80 : index
    %swap3A_284 = tpu.vector_load %arg9[%swap3A_283] {strides = array<i32>} : memref<144xf32, #tpu.memory_space<vmem>>, vector<16xf32>,
    tpu.vector_store %arg9[%swap3A_283], %rev3A_282 {strides = array<i32>} : memref<144xf32, #tpu.memory_space<vmem>>, vector<16xf32>,
    %broadcast_in_dim3A_285 = arith.constant 80 : i32
    %broadcast_in_dim3A_286 = vector.broadcast %broadcast_in_dim3A_285 : i32 to vector<16xi32>
    %gather3A_287 = tpu.vector_load_idx %arg9[%broadcast_in_dim3A_286] : memref<144xf32, #tpu.memory_space<vmem>>[vector<16xi32>], vector<16xf32>,
    %get3A_288 = arith.constant 64 : index
    %get3A_289 = tpu.vector_load %arg9[%get3A_288] {strides = array<i32>} : memref<144xf32, #tpu.memory_space<vmem>>, vector<16xf32>,
    %rev3A_290 = arith.constant 15 : i32
    %rev3A_291 = vector.broadcast %rev3A_290 : i32 to vector<16xi32>
    %rev3A_292 = tpu.iota {dimensions = array<i32: 0>} : vector<16xi32>
    %rev3A_293 = arith.subi %rev3A_291, %rev3A_292 : vector<16xi32>
    %rev3A_294 = tpu.dynamic_gather %get3A_289[%rev3A_293] in [0] : vector<16xf32>, vector<16xi32> -> vector<16xf32>
    %neg3A_295 = arith.constant 0.000000e+00 : f32
    %neg3A_296 = vector.broadcast %neg3A_295 : f32 to vector<16xf32>
    %neg3A_297 = arith.subf %neg3A_296, %rev3A_294 : vector<16xf32>
    %broadcast_in_dim3A_298 = arith.constant true
    %broadcast_in_dim3A_299 = vector.broadcast %broadcast_in_dim3A_298 : i1 to vector<16xi1>
    %masked_cummax3A_300 = tpu.scan <max>, %neg3A_297 masked %broadcast_in_dim3A_299 : vector<16xf32>, vector<16xi1> -> vector<16xf32>
    %neg3A_301 = arith.constant 0.000000e+00 : f32
    %neg3A_302 = vector.broadcast %neg3A_301 : f32 to vector<16xf32>
    %neg3A_303 = arith.subf %neg3A_302, %masked_cummax3A_300 : vector<16xf32>
    %min3A_304 = arith.minimumf %neg3A_303, %gather3A_287 : vector<16xf32>
    %rev3A_305 = arith.constant 15 : i32
    %rev3A_306 = vector.broadcast %rev3A_305 : i32 to vector<16xi32>
    %rev3A_307 = tpu.iota {dimensions = array<i32: 0>} : vector<16xi32>
    %rev3A_308 = arith.subi %rev3A_306, %rev3A_307 : vector<16xi32>
    %rev3A_309 = tpu.dynamic_gather %min3A_304[%rev3A_308] in [0] : vector<16xf32>, vector<16xi32> -> vector<16xf32>
    %swap3A_310 = arith.constant 64 : index
    %swap3A_311 = tpu.vector_load %arg9[%swap3A_310] {strides = array<i32>} : memref<144xf32, #tpu.memory_space<vmem>>, vector<16xf32>,
    tpu.vector_store %arg9[%swap3A_310], %rev3A_309 {strides = array<i32>} : memref<144xf32, #tpu.memory_space<vmem>>, vector<16xf32>,
    %broadcast_in_dim3A_312 = arith.constant 64 : i32
    %broadcast_in_dim3A_313 = vector.broadcast %broadcast_in_dim3A_312 : i32 to vector<16xi32>
    %gather3A_314 = tpu.vector_load_idx %arg9[%broadcast_in_dim3A_313] : memref<144xf32, #tpu.memory_space<vmem>>[vector<16xi32>], vector<16xf32>,
    %get3A_315 = arith.constant 48 : index
    %get3A_316 = tpu.vector_load %arg9[%get3A_315] {strides = array<i32>} : memref<144xf32, #tpu.memory_space<vmem>>, vector<16xf32>,
    %rev3A_317 = arith.constant 15 : i32
    %rev3A_318 = vector.broadcast %rev3A_317 : i32 to vector<16xi32>
    %rev3A_319 = tpu.iota {dimensions = array<i32: 0>} : vector<16xi32>
    %rev3A_320 = arith.subi %rev3A_318, %rev3A_319 : vector<16xi32>
    %rev3A_321 = tpu.dynamic_gather %get3A_316[%rev3A_320] in [0] : vector<16xf32>, vector<16xi32> -> vector<16xf32>
    %neg3A_322 = arith.constant 0.000000e+00 : f32
    %neg3A_323 = vector.broadcast %neg3A_322 : f32 to vector<16xf32>
    %neg3A_324 = arith.subf %neg3A_323, %rev3A_321 : vector<16xf32>
    %broadcast_in_dim3A_325 = arith.constant true
    %broadcast_in_dim3A_326 = vector.broadcast %broadcast_in_dim3A_325 : i1 to vector<16xi1>
    %masked_cummax3A_327 = tpu.scan <max>, %neg3A_324 masked %broadcast_in_dim3A_326 : vector<16xf32>, vector<16xi1> -> vector<16xf32>
    %neg3A_328 = arith.constant 0.000000e+00 : f32
    %neg3A_329 = vector.broadcast %neg3A_328 : f32 to vector<16xf32>
    %neg3A_330 = arith.subf %neg3A_329, %masked_cummax3A_327 : vector<16xf32>
    %min3A_331 = arith.minimumf %neg3A_330, %gather3A_314 : vector<16xf32>
    %rev3A_332 = arith.constant 15 : i32
    %rev3A_333 = vector.broadcast %rev3A_332 : i32 to vector<16xi32>
    %rev3A_334 = tpu.iota {dimensions = array<i32: 0>} : vector<16xi32>
    %rev3A_335 = arith.subi %rev3A_333, %rev3A_334 : vector<16xi32>
    %rev3A_336 = tpu.dynamic_gather %min3A_331[%rev3A_335] in [0] : vector<16xf32>, vector<16xi32> -> vector<16xf32>
    %swap3A_337 = arith.constant 48 : index
    %swap3A_338 = tpu.vector_load %arg9[%swap3A_337] {strides = array<i32>} : memref<144xf32, #tpu.memory_space<vmem>>, vector<16xf32>,
    tpu.vector_store %arg9[%swap3A_337], %rev3A_336 {strides = array<i32>} : memref<144xf32, #tpu.memory_space<vmem>>, vector<16xf32>,
    %broadcast_in_dim3A_339 = arith.constant 48 : i32
    %broadcast_in_dim3A_340 = vector.broadcast %broadcast_in_dim3A_339 : i32 to vector<16xi32>
    %gather3A_341 = tpu.vector_load_idx %arg9[%broadcast_in_dim3A_340] : memref<144xf32, #tpu.memory_space<vmem>>[vector<16xi32>], vector<16xf32>,
    %get3A_342 = arith.constant 32 : index
    %get3A_343 = tpu.vector_load %arg9[%get3A_342] {strides = array<i32>} : memref<144xf32, #tpu.memory_space<vmem>>, vector<16xf32>,
    %rev3A_344 = arith.constant 15 : i32
    %rev3A_345 = vector.broadcast %rev3A_344 : i32 to vector<16xi32>
    %rev3A_346 = tpu.iota {dimensions = array<i32: 0>} : vector<16xi32>
    %rev3A_347 = arith.subi %rev3A_345, %rev3A_346 : vector<16xi32>
    %rev3A_348 = tpu.dynamic_gather %get3A_343[%rev3A_347] in [0] : vector<16xf32>, vector<16xi32> -> vector<16xf32>
    %neg3A_349 = arith.constant 0.000000e+00 : f32
    %neg3A_350 = vector.broadcast %neg3A_349 : f32 to vector<16xf32>
    %neg3A_351 = arith.subf %neg3A_350, %rev3A_348 : vector<16xf32>
    %broadcast_in_dim3A_352 = arith.constant true
    %broadcast_in_dim3A_353 = vector.broadcast %broadcast_in_dim3A_352 : i1 to vector<16xi1>
    %masked_cummax3A_354 = tpu.scan <max>, %neg3A_351 masked %broadcast_in_dim3A_353 : vector<16xf32>, vector<16xi1> -> vector<16xf32>
    %neg3A_355 = arith.constant 0.000000e+00 : f32
    %neg3A_356 = vector.broadcast %neg3A_355 : f32 to vector<16xf32>
    %neg3A_357 = arith.subf %neg3A_356, %masked_cummax3A_354 : vector<16xf32>
    %min3A_358 = arith.minimumf %neg3A_357, %gather3A_341 : vector<16xf32>
    %rev3A_359 = arith.constant 15 : i32
    %rev3A_360 = vector.broadcast %rev3A_359 : i32 to vector<16xi32>
    %rev3A_361 = tpu.iota {dimensions = array<i32: 0>} : vector<16xi32>
    %rev3A_362 = arith.subi %rev3A_360, %rev3A_361 : vector<16xi32>
    %rev3A_363 = tpu.dynamic_gather %min3A_358[%rev3A_362] in [0] : vector<16xf32>, vector<16xi32> -> vector<16xf32>
    %swap3A_364 = arith.constant 32 : index
    %swap3A_365 = tpu.vector_load %arg9[%swap3A_364] {strides = array<i32>} : memref<144xf32, #tpu.memory_space<vmem>>, vector<16xf32>,
    tpu.vector_store %arg9[%swap3A_364], %rev3A_363 {strides = array<i32>} : memref<144xf32, #tpu.memory_space<vmem>>, vector<16xf32>,
    %broadcast_in_dim3A_366 = arith.constant 32 : i32
    %broadcast_in_dim3A_367 = vector.broadcast %broadcast_in_dim3A_366 : i32 to vector<16xi32>
    %gather3A_368 = tpu.vector_load_idx %arg9[%broadcast_in_dim3A_367] : memref<144xf32, #tpu.memory_space<vmem>>[vector<16xi32>], vector<16xf32>,
    %get3A_369 = arith.constant 16 : index
    %get3A_370 = tpu.vector_load %arg9[%get3A_369] {strides = array<i32>} : memref<144xf32, #tpu.memory_space<vmem>>, vector<16xf32>,
    %rev3A_371 = arith.constant 15 : i32
    %rev3A_372 = vector.broadcast %rev3A_371 : i32 to vector<16xi32>
    %rev3A_373 = tpu.iota {dimensions = array<i32: 0>} : vector<16xi32>
    %rev3A_374 = arith.subi %rev3A_372, %rev3A_373 : vector<16xi32>
    %rev3A_375 = tpu.dynamic_gather %get3A_370[%rev3A_374] in [0] : vector<16xf32>, vector<16xi32> -> vector<16xf32>
    %neg3A_376 = arith.constant 0.000000e+00 : f32
    %neg3A_377 = vector.broadcast %neg3A_376 : f32 to vector<16xf32>
    %neg3A_378 = arith.subf %neg3A_377, %rev3A_375 : vector<16xf32>
    %broadcast_in_dim3A_379 = arith.constant true
    %broadcast_in_dim3A_380 = vector.broadcast %broadcast_in_dim3A_379 : i1 to vector<16xi1>
    %masked_cummax3A_381 = tpu.scan <max>, %neg3A_378 masked %broadcast_in_dim3A_380 : vector<16xf32>, vector<16xi1> -> vector<16xf32>
    %neg3A_382 = arith.constant 0.000000e+00 : f32
    %neg3A_383 = vector.broadcast %neg3A_382 : f32 to vector<16xf32>
    %neg3A_384 = arith.subf %neg3A_383, %masked_cummax3A_381 : vector<16xf32>
    %min3A_385 = arith.minimumf %neg3A_384, %gather3A_368 : vector<16xf32>
    %rev3A_386 = arith.constant 15 : i32
    %rev3A_387 = vector.broadcast %rev3A_386 : i32 to vector<16xi32>
    %rev3A_388 = tpu.iota {dimensions = array<i32: 0>} : vector<16xi32>
    %rev3A_389 = arith.subi %rev3A_387, %rev3A_388 : vector<16xi32>
    %rev3A_390 = tpu.dynamic_gather %min3A_385[%rev3A_389] in [0] : vector<16xf32>, vector<16xi32> -> vector<16xf32>
    %swap3A_391 = arith.constant 16 : index
    %swap3A_392 = tpu.vector_load %arg9[%swap3A_391] {strides = array<i32>} : memref<144xf32, #tpu.memory_space<vmem>>, vector<16xf32>,
    tpu.vector_store %arg9[%swap3A_391], %rev3A_390 {strides = array<i32>} : memref<144xf32, #tpu.memory_space<vmem>>, vector<16xf32>,
    %broadcast_in_dim3A_393 = arith.constant 16 : i32
    %broadcast_in_dim3A_394 = vector.broadcast %broadcast_in_dim3A_393 : i32 to vector<16xi32>
    %gather3A_395 = tpu.vector_load_idx %arg9[%broadcast_in_dim3A_394] : memref<144xf32, #tpu.memory_space<vmem>>[vector<16xi32>], vector<16xf32>,
    %get3A_396 = arith.constant 0 : index
    %get3A_397 = tpu.vector_load %arg9[%get3A_396] {strides = array<i32>} : memref<144xf32, #tpu.memory_space<vmem>>, vector<16xf32>,
    %rev3A_398 = arith.constant 15 : i32
    %rev3A_399 = vector.broadcast %rev3A_398 : i32 to vector<16xi32>
    %rev3A_400 = tpu.iota {dimensions = array<i32: 0>} : vector<16xi32>
    %rev3A_401 = arith.subi %rev3A_399, %rev3A_400 : vector<16xi32>
    %rev3A_402 = tpu.dynamic_gather %get3A_397[%rev3A_401] in [0] : vector<16xf32>, vector<16xi32> -> vector<16xf32>
    %neg3A_403 = arith.constant 0.000000e+00 : f32
    %neg3A_404 = vector.broadcast %neg3A_403 : f32 to vector<16xf32>
    %neg3A_405 = arith.subf %neg3A_404, %rev3A_402 : vector<16xf32>
    %broadcast_in_dim3A_406 = arith.constant true
    %broadcast_in_dim3A_407 = vector.broadcast %broadcast_in_dim3A_406 : i1 to vector<16xi1>
    %masked_cummax3A_408 = tpu.scan <max>, %neg3A_405 masked %broadcast_in_dim3A_407 : vector<16xf32>, vector<16xi1> -> vector<16xf32>
    %neg3A_409 = arith.constant 0.000000e+00 : f32
    %neg3A_410 = vector.broadcast %neg3A_409 : f32 to vector<16xf32>
    %neg3A_411 = arith.subf %neg3A_410, %masked_cummax3A_408 : vector<16xf32>
    %min3A_412 = arith.minimumf %neg3A_411, %gather3A_395 : vector<16xf32>
    %rev3A_413 = arith.constant 15 : i32
    %rev3A_414 = vector.broadcast %rev3A_413 : i32 to vector<16xi32>
    %rev3A_415 = tpu.iota {dimensions = array<i32: 0>} : vector<16xi32>
    %rev3A_416 = arith.subi %rev3A_414, %rev3A_415 : vector<16xi32>
    %rev3A_417 = tpu.dynamic_gather %min3A_412[%rev3A_416] in [0] : vector<16xf32>, vector<16xi32> -> vector<16xf32>
    %swap3A_418 = arith.constant 0 : index
    %swap3A_419 = tpu.vector_load %arg9[%swap3A_418] {strides = array<i32>} : memref<144xf32, #tpu.memory_space<vmem>>, vector<16xf32>,
    tpu.vector_store %arg9[%swap3A_418], %rev3A_417 {strides = array<i32>} : memref<144xf32, #tpu.memory_space<vmem>>, vector<16xf32>,
    %broadcast_in_dim3A_420 = arith.constant 0 : i32
    %broadcast_in_dim3A_421 = vector.broadcast %broadcast_in_dim3A_420 : i32 to vector<16xi32>
    %gather3A_422 = tpu.vector_load_idx %arg9[%broadcast_in_dim3A_421] : memref<144xf32, #tpu.memory_space<vmem>>[vector<16xi32>], vector<16xf32>,
    %get3A_423 = arith.constant 0 : index
    %get3A_424 = tpu.vector_load %arg7[%get3A_423] {strides = array<i32>} : memref<128xf32, #tpu.memory_space<vmem>>, vector<16xf32>,
    %get3A_425 = arith.constant 0 : index
    %get3A_426 = tpu.vector_load %arg10[%get3A_425] {strides = array<i32>} : memref<144xf32, #tpu.memory_space<vmem>>, vector<16xf32>,
    %add3A_427 = arith.constant 1 : i32
    %add3A_428 = vector.broadcast %add3A_427 : i32 to vector<16xi32>
    %add3A_429 = arith.addi %iota3A, %add3A_428 : vector<16xi32>
    %gather3A_430 = tpu.vector_load_idx %arg9[%add3A_429] : memref<144xf32, #tpu.memory_space<vmem>>[vector<16xi32>], vector<16xf32>,
    %sub3A_431 = arith.subf %get3A_424, %get3A_426 : vector<16xf32>
    %sub3A_432 = arith.subf %gather3A_430, %get3A_424 : vector<16xf32>
    %min3A_433 = arith.minimumf %sub3A_431, %sub3A_432 : vector<16xf32>
    %min3A_434 = arith.constant 1.000000e+10 : f32
    %min3A_435 = vector.broadcast %min3A_434 : f32 to vector<16xf32>
    %min3A_436 = arith.minimumf %min3A_433, %min3A_435 : vector<16xf32>
    %swap3A_437 = arith.constant 0 : index
    %swap3A_438 = tpu.vector_load %arg11[%swap3A_437] {strides = array<i32>} : memref<128xf32, #tpu.memory_space<vmem>>, vector<16xf32>,
    tpu.vector_store %arg11[%swap3A_437], %min3A_436 {strides = array<i32>} : memref<128xf32, #tpu.memory_space<vmem>>, vector<16xf32>,
    %get3A_439 = arith.constant 16 : index
    %get3A_440 = tpu.vector_load %arg7[%get3A_439] {strides = array<i32>} : memref<128xf32, #tpu.memory_space<vmem>>, vector<16xf32>,
    %get3A_441 = arith.constant 16 : index
    %get3A_442 = tpu.vector_load %arg10[%get3A_441] {strides = array<i32>} : memref<144xf32, #tpu.memory_space<vmem>>, vector<16xf32>,
    %add3A_443 = arith.constant 17 : i32
    %add3A_444 = vector.broadcast %add3A_443 : i32 to vector<16xi32>
    %add3A_445 = arith.addi %iota3A, %add3A_444 : vector<16xi32>
    %gather3A_446 = tpu.vector_load_idx %arg9[%add3A_445] : memref<144xf32, #tpu.memory_space<vmem>>[vector<16xi32>], vector<16xf32>,
    %sub3A_447 = arith.subf %get3A_440, %get3A_442 : vector<16xf32>
    %sub3A_448 = arith.subf %gather3A_446, %get3A_440 : vector<16xf32>
    %min3A_449 = arith.minimumf %sub3A_447, %sub3A_448 : vector<16xf32>
    %min3A_450 = arith.constant 1.000000e+10 : f32
    %min3A_451 = vector.broadcast %min3A_450 : f32 to vector<16xf32>
    %min3A_452 = arith.minimumf %min3A_449, %min3A_451 : vector<16xf32>
    %swap3A_453 = arith.constant 16 : index
    %swap3A_454 = tpu.vector_load %arg11[%swap3A_453] {strides = array<i32>} : memref<128xf32, #tpu.memory_space<vmem>>, vector<16xf32>,
    tpu.vector_store %arg11[%swap3A_453], %min3A_452 {strides = array<i32>} : memref<128xf32, #tpu.memory_space<vmem>>, vector<16xf32>,
    %get3A_455 = arith.constant 32 : index
    %get3A_456 = tpu.vector_load %arg7[%get3A_455] {strides = array<i32>} : memref<128xf32, #tpu.memory_space<vmem>>, vector<16xf32>,
    %get3A_457 = arith.constant 32 : index
    %get3A_458 = tpu.vector_load %arg10[%get3A_457] {strides = array<i32>} : memref<144xf32, #tpu.memory_space<vmem>>, vector<16xf32>,
    %add3A_459 = arith.constant 33 : i32
    %add3A_460 = vector.broadcast %add3A_459 : i32 to vector<16xi32>
    %add3A_461 = arith.addi %iota3A, %add3A_460 : vector<16xi32>
    %gather3A_462 = tpu.vector_load_idx %arg9[%add3A_461] : memref<144xf32, #tpu.memory_space<vmem>>[vector<16xi32>], vector<16xf32>,
    %sub3A_463 = arith.subf %get3A_456, %get3A_458 : vector<16xf32>
    %sub3A_464 = arith.subf %gather3A_462, %get3A_456 : vector<16xf32>
    %min3A_465 = arith.minimumf %sub3A_463, %sub3A_464 : vector<16xf32>
    %min3A_466 = arith.constant 1.000000e+10 : f32
    %min3A_467 = vector.broadcast %min3A_466 : f32 to vector<16xf32>
    %min3A_468 = arith.minimumf %min3A_465, %min3A_467 : vector<16xf32>
    %swap3A_469 = arith.constant 32 : index
    %swap3A_470 = tpu.vector_load %arg11[%swap3A_469] {strides = array<i32>} : memref<128xf32, #tpu.memory_space<vmem>>, vector<16xf32>,
    tpu.vector_store %arg11[%swap3A_469], %min3A_468 {strides = array<i32>} : memref<128xf32, #tpu.memory_space<vmem>>, vector<16xf32>,
    %get3A_471 = arith.constant 48 : index
    %get3A_472 = tpu.vector_load %arg7[%get3A_471] {strides = array<i32>} : memref<128xf32, #tpu.memory_space<vmem>>, vector<16xf32>,
    %get3A_473 = arith.constant 48 : index
    %get3A_474 = tpu.vector_load %arg10[%get3A_473] {strides = array<i32>} : memref<144xf32, #tpu.memory_space<vmem>>, vector<16xf32>,
    %add3A_475 = arith.constant 49 : i32
    %add3A_476 = vector.broadcast %add3A_475 : i32 to vector<16xi32>
    %add3A_477 = arith.addi %iota3A, %add3A_476 : vector<16xi32>
    %gather3A_478 = tpu.vector_load_idx %arg9[%add3A_477] : memref<144xf32, #tpu.memory_space<vmem>>[vector<16xi32>], vector<16xf32>,
    %sub3A_479 = arith.subf %get3A_472, %get3A_474 : vector<16xf32>
    %sub3A_480 = arith.subf %gather3A_478, %get3A_472 : vector<16xf32>
    %min3A_481 = arith.minimumf %sub3A_479, %sub3A_480 : vector<16xf32>
    %min3A_482 = arith.constant 1.000000e+10 : f32
    %min3A_483 = vector.broadcast %min3A_482 : f32 to vector<16xf32>
    %min3A_484 = arith.minimumf %min3A_481, %min3A_483 : vector<16xf32>
    %swap3A_485 = arith.constant 48 : index
    %swap3A_486 = tpu.vector_load %arg11[%swap3A_485] {strides = array<i32>} : memref<128xf32, #tpu.memory_space<vmem>>, vector<16xf32>,
    tpu.vector_store %arg11[%swap3A_485], %min3A_484 {strides = array<i32>} : memref<128xf32, #tpu.memory_space<vmem>>, vector<16xf32>,
    %get3A_487 = arith.constant 64 : index
    %get3A_488 = tpu.vector_load %arg7[%get3A_487] {strides = array<i32>} : memref<128xf32, #tpu.memory_space<vmem>>, vector<16xf32>,
    %get3A_489 = arith.constant 64 : index
    %get3A_490 = tpu.vector_load %arg10[%get3A_489] {strides = array<i32>} : memref<144xf32, #tpu.memory_space<vmem>>, vector<16xf32>,
    %add3A_491 = arith.constant 65 : i32
    %add3A_492 = vector.broadcast %add3A_491 : i32 to vector<16xi32>
    %add3A_493 = arith.addi %iota3A, %add3A_492 : vector<16xi32>
    %gather3A_494 = tpu.vector_load_idx %arg9[%add3A_493] : memref<144xf32, #tpu.memory_space<vmem>>[vector<16xi32>], vector<16xf32>,
    %sub3A_495 = arith.subf %get3A_488, %get3A_490 : vector<16xf32>
    %sub3A_496 = arith.subf %gather3A_494, %get3A_488 : vector<16xf32>
    %min3A_497 = arith.minimumf %sub3A_495, %sub3A_496 : vector<16xf32>
    %min3A_498 = arith.constant 1.000000e+10 : f32
    %min3A_499 = vector.broadcast %min3A_498 : f32 to vector<16xf32>
    %min3A_500 = arith.minimumf %min3A_497, %min3A_499 : vector<16xf32>
    %swap3A_501 = arith.constant 64 : index
    %swap3A_502 = tpu.vector_load %arg11[%swap3A_501] {strides = array<i32>} : memref<128xf32, #tpu.memory_space<vmem>>, vector<16xf32>,
    tpu.vector_store %arg11[%swap3A_501], %min3A_500 {strides = array<i32>} : memref<128xf32, #tpu.memory_space<vmem>>, vector<16xf32>,
    %get3A_503 = arith.constant 80 : index
    %get3A_504 = tpu.vector_load %arg7[%get3A_503] {strides = array<i32>} : memref<128xf32, #tpu.memory_space<vmem>>, vector<16xf32>,
    %get3A_505 = arith.constant 80 : index
    %get3A_506 = tpu.vector_load %arg10[%get3A_505] {strides = array<i32>} : memref<144xf32, #tpu.memory_space<vmem>>, vector<16xf32>,
    %add3A_507 = arith.constant 81 : i32
    %add3A_508 = vector.broadcast %add3A_507 : i32 to vector<16xi32>
    %add3A_509 = arith.addi %iota3A, %add3A_508 : vector<16xi32>
    %gather3A_510 = tpu.vector_load_idx %arg9[%add3A_509] : memref<144xf32, #tpu.memory_space<vmem>>[vector<16xi32>], vector<16xf32>,
    %sub3A_511 = arith.subf %get3A_504, %get3A_506 : vector<16xf32>
    %sub3A_512 = arith.subf %gather3A_510, %get3A_504 : vector<16xf32>
    %min3A_513 = arith.minimumf %sub3A_511, %sub3A_512 : vector<16xf32>
    %min3A_514 = arith.constant 1.000000e+10 : f32
    %min3A_515 = vector.broadcast %min3A_514 : f32 to vector<16xf32>
    %min3A_516 = arith.minimumf %min3A_513, %min3A_515 : vector<16xf32>
    %swap3A_517 = arith.constant 80 : index
    %swap3A_518 = tpu.vector_load %arg11[%swap3A_517] {strides = array<i32>} : memref<128xf32, #tpu.memory_space<vmem>>, vector<16xf32>,
    tpu.vector_store %arg11[%swap3A_517], %min3A_516 {strides = array<i32>} : memref<128xf32, #tpu.memory_space<vmem>>, vector<16xf32>,
    %get3A_519 = arith.constant 96 : index
    %get3A_520 = tpu.vector_load %arg7[%get3A_519] {strides = array<i32>} : memref<128xf32, #tpu.memory_space<vmem>>, vector<16xf32>,
    %get3A_521 = arith.constant 96 : index
    %get3A_522 = tpu.vector_load %arg10[%get3A_521] {strides = array<i32>} : memref<144xf32, #tpu.memory_space<vmem>>, vector<16xf32>,
    %add3A_523 = arith.constant 97 : i32
    %add3A_524 = vector.broadcast %add3A_523 : i32 to vector<16xi32>
    %add3A_525 = arith.addi %iota3A, %add3A_524 : vector<16xi32>
    %gather3A_526 = tpu.vector_load_idx %arg9[%add3A_525] : memref<144xf32, #tpu.memory_space<vmem>>[vector<16xi32>], vector<16xf32>,
    %sub3A_527 = arith.subf %get3A_520, %get3A_522 : vector<16xf32>
    %sub3A_528 = arith.subf %gather3A_526, %get3A_520 : vector<16xf32>
    %min3A_529 = arith.minimumf %sub3A_527, %sub3A_528 : vector<16xf32>
    %min3A_530 = arith.constant 1.000000e+10 : f32
    %min3A_531 = vector.broadcast %min3A_530 : f32 to vector<16xf32>
    %min3A_532 = arith.minimumf %min3A_529, %min3A_531 : vector<16xf32>
    %swap3A_533 = arith.constant 96 : index
    %swap3A_534 = tpu.vector_load %arg11[%swap3A_533] {strides = array<i32>} : memref<128xf32, #tpu.memory_space<vmem>>, vector<16xf32>,
    tpu.vector_store %arg11[%swap3A_533], %min3A_532 {strides = array<i32>} : memref<128xf32, #tpu.memory_space<vmem>>, vector<16xf32>,
    %get3A_535 = arith.constant 112 : index
    %get3A_536 = tpu.vector_load %arg7[%get3A_535] {strides = array<i32>} : memref<128xf32, #tpu.memory_space<vmem>>, vector<16xf32>,
    %get3A_537 = arith.constant 112 : index
    %get3A_538 = tpu.vector_load %arg10[%get3A_537] {strides = array<i32>} : memref<144xf32, #tpu.memory_space<vmem>>, vector<16xf32>,
    %add3A_539 = arith.constant 113 : i32
    %add3A_540 = vector.broadcast %add3A_539 : i32 to vector<16xi32>
    %add3A_541 = arith.addi %iota3A, %add3A_540 : vector<16xi32>
    %gather3A_542 = tpu.vector_load_idx %arg9[%add3A_541] : memref<144xf32, #tpu.memory_space<vmem>>[vector<16xi32>], vector<16xf32>,
    %sub3A_543 = arith.subf %get3A_536, %get3A_538 : vector<16xf32>
    %sub3A_544 = arith.subf %gather3A_542, %get3A_536 : vector<16xf32>
    %min3A_545 = arith.minimumf %sub3A_543, %sub3A_544 : vector<16xf32>
    %min3A_546 = arith.constant 1.000000e+10 : f32
    %min3A_547 = vector.broadcast %min3A_546 : f32 to vector<16xf32>
    %min3A_548 = arith.minimumf %min3A_545, %min3A_547 : vector<16xf32>
    %swap3A_549 = arith.constant 112 : index
    %swap3A_550 = tpu.vector_load %arg11[%swap3A_549] {strides = array<i32>} : memref<128xf32, #tpu.memory_space<vmem>>, vector<16xf32>,
    tpu.vector_store %arg11[%swap3A_549], %min3A_548 {strides = array<i32>} : memref<128xf32, #tpu.memory_space<vmem>>, vector<16xf32>,
    "tpu.region"() ({
      %run_scoped3A = tpu.sem_alloc : memref<!tpu.dma_semaphore, #tpu.memory_space<semaphore_mem>>
      %dma_start3A = arith.constant 0 : i32
      %dma_start3A_551 = tpu.memref_slice %arg4[%add3A, %dma_start3A] : memref<32x128xf32, #tpu.memory_space<hbm>> -> memref<1x128xf32, #tpu.memory_space<hbm>>
      %dma_start3A_552 = tpu.memref_squeeze %dma_start3A_551 : memref<1x128xf32, #tpu.memory_space<hbm>> -> memref<128xf32, #tpu.memory_space<hbm>>
      %dma_start3A_553 = arith.constant 0 : i32
      %dma_start3A_554 = tpu.memref_slice %arg4[%add3A, %dma_start3A_553] : memref<32x128xf32, #tpu.memory_space<hbm>> -> memref<1x128xf32, #tpu.memory_space<hbm>>
      %dma_start3A_555 = tpu.memref_squeeze %dma_start3A_554 : memref<1x128xf32, #tpu.memory_space<hbm>> -> memref<128xf32, #tpu.memory_space<hbm>>
      tpu.enqueue_dma source(%arg11 : memref<128xf32, #tpu.memory_space<vmem>>) target(%dma_start3A_555 : memref<128xf32, #tpu.memory_space<hbm>>) target_semaphore(%run_scoped3A : memref<!tpu.dma_semaphore, #tpu.memory_space<semaphore_mem>>)
      %dma_wait3A = arith.constant 0 : i32
      %dma_wait3A_556 = tpu.memref_slice %arg4[%add3A, %dma_wait3A] : memref<32x128xf32, #tpu.memory_space<hbm>> -> memref<1x128xf32, #tpu.memory_space<hbm>>
      %dma_wait3A_557 = tpu.memref_squeeze %dma_wait3A_556 : memref<1x128xf32, #tpu.memory_space<hbm>> -> memref<128xf32, #tpu.memory_space<hbm>>
      %dma_wait3A_558 = arith.constant 0 : i32
      %dma_wait3A_559 = tpu.memref_slice %arg4[%add3A, %dma_wait3A_558] : memref<32x128xf32, #tpu.memory_space<hbm>> -> memref<1x128xf32, #tpu.memory_space<hbm>>
      %dma_wait3A_560 = tpu.memref_squeeze %dma_wait3A_559 : memref<1x128xf32, #tpu.memory_space<hbm>> -> memref<128xf32, #tpu.memory_space<hbm>>
      tpu.wait_dma2 semaphore(%run_scoped3A : memref<!tpu.dma_semaphore, #tpu.memory_space<semaphore_mem>>) src(%arg11 : memref<128xf32, #tpu.memory_space<vmem>>) dst(%dma_wait3A_560 : memref<128xf32, #tpu.memory_space<hbm>>)
      tpu.yield
    }) : () -> ()
    return
  }
}

module attributes {stable_mosaic.version = 14 : i64} {
  func.func @_sort_body(%arg0: i32, %arg1: memref<1x1x128xf32, #tpu.memory_space<vmem>>, %arg2: memref<1x1x128xf32, #tpu.memory_space<vmem>>, %arg3: memref<1x128x1xf32, #tpu.memory_space<vmem>>, %arg4: memref<1x128x1xf32, #tpu.memory_space<vmem>>, %arg5: memref<1x1x128xf32, #tpu.memory_space<vmem>>) attributes {dimension_semantics = [#tpu.dimension_semantics<arbitrary>], iteration_bounds = array<i64: 4>, scalar_prefetch = 0 : i64, scratch_operands = 0 : i64, tpu.core_type = #tpu.core_type<tc>, window_params = [{transform_indices = @transform_0, window_bounds = array<i64: 1, 1, 128>}, {transform_indices = @transform_1, window_bounds = array<i64: 1, 1, 128>}, {transform_indices = @transform_2, window_bounds = array<i64: 1, 128, 1>}, {transform_indices = @transform_3, window_bounds = array<i64: 1, 128, 1>}, {transform_indices = @transform_4, window_bounds = array<i64: 1, 1, 128>}]} {
    %get3A = arith.constant 0 : index
    %get3A_0 = arith.constant 0 : index
    %get3A_1 = arith.constant 0 : index
    %get3A_2 = vector.load %arg1[%get3A, %get3A_0, %get3A_1] : memref<1x1x128xf32, #tpu.memory_space<vmem>>, vector<1x1x128xf32>
    %get3A_3 = vector.shape_cast %get3A_2 : vector<1x1x128xf32> to vector<1x128xf32>
    %get3A_4 = arith.constant 0 : index
    %get3A_5 = arith.constant 0 : index
    %get3A_6 = arith.constant 0 : index
    %get3A_7 = vector.load %arg2[%get3A_4, %get3A_5, %get3A_6] : memref<1x1x128xf32, #tpu.memory_space<vmem>>, vector<1x1x128xf32>
    %get3A_8 = vector.shape_cast %get3A_7 : vector<1x1x128xf32> to vector<1x128xf32>
    %add3A = arith.addf %get3A_3, %get3A_8 : vector<1x128xf32>
    %mul3A = arith.constant 5.000000e-01 : f32
    %mul3A_9 = vector.broadcast %mul3A : f32 to vector<1x128xf32>
    %mul3A_10 = arith.mulf %mul3A_9, %add3A : vector<1x128xf32>
    %get3A_11 = arith.constant 0 : index
    %get3A_12 = arith.constant 0 : index
    %get3A_13 = arith.constant 0 : index
    %get3A_14 = vector.load %arg3[%get3A_11, %get3A_12, %get3A_13] : memref<1x128x1xf32, #tpu.memory_space<vmem>>, vector<1x128x1xf32>
    %get3A_15 = vector.shape_cast %get3A_14 : vector<1x128x1xf32> to vector<128x1xf32>
    %get3A_16 = arith.constant 0 : index
    %get3A_17 = arith.constant 0 : index
    %get3A_18 = arith.constant 0 : index
    %get3A_19 = vector.load %arg4[%get3A_16, %get3A_17, %get3A_18] : memref<1x128x1xf32, #tpu.memory_space<vmem>>, vector<1x128x1xf32>
    %get3A_20 = vector.shape_cast %get3A_19 : vector<1x128x1xf32> to vector<128x1xf32>
    %add3A_21 = arith.addf %get3A_15, %get3A_20 : vector<128x1xf32>
    %mul3A_22 = arith.constant 5.000000e-01 : f32
    %mul3A_23 = vector.broadcast %mul3A_22 : f32 to vector<128x1xf32>
    %mul3A_24 = arith.mulf %mul3A_23, %add3A_21 : vector<128x1xf32>
    %iota3A = tpu.iota {dimensions = array<i32: 1>} : vector<128x128xi32>
    %iota3A_25 = tpu.iota {dimensions = array<i32: 0>} : vector<128x128xi32>
    %lt3A = vector.broadcast %mul3A_10 : vector<1x128xf32> to vector<128x128xf32>
    %lt3A_26 = vector.broadcast %mul3A_24 : vector<128x1xf32> to vector<128x128xf32>
    %lt3A_27 = arith.cmpf olt, %lt3A, %lt3A_26 : vector<128x128xf32>
    %eq3A = vector.broadcast %mul3A_10 : vector<1x128xf32> to vector<128x128xf32>
    %eq3A_28 = vector.broadcast %mul3A_24 : vector<128x1xf32> to vector<128x128xf32>
    %eq3A_29 = arith.cmpf oeq, %eq3A, %eq3A_28 : vector<128x128xf32>
    %lt3A_30 = arith.cmpi slt, %iota3A, %iota3A_25 : vector<128x128xi32>
    %and3A = arith.andi %eq3A_29, %lt3A_30 : vector<128x128xi1>
    %or3A = arith.ori %lt3A_27, %and3A : vector<128x128xi1>
    %convert_element_type3A = arith.extui %or3A : vector<128x128xi1> to vector<128x128xi32>
    %reduce_sum3A = arith.constant dense<0> : vector<128xi32>
    %reduce_sum3A_31 = vector.multi_reduction <add>, %convert_element_type3A, %reduce_sum3A [1] : vector<128x128xi32> to vector<128xi32>
    %broadcast_in_dim3A = vector.shape_cast %reduce_sum3A_31 : vector<128xi32> to vector<128x1xi32>
    %iota3A_32 = tpu.iota {dimensions = array<i32: 1>} : vector<128x128xi32>
    %eq3A_33 = vector.broadcast %broadcast_in_dim3A : vector<128x1xi32> to vector<128x128xi32>
    %eq3A_34 = arith.cmpi eq, %eq3A_33, %iota3A_32 : vector<128x128xi32>
    %jit3A = arith.constant 0.000000e+00 : f32
    %broadcast_in_dim3A_35 = vector.shape_cast %mul3A_24 : vector<128x1xf32> to vector<128x1xf32>
    %broadcast_in_dim3A_36 = vector.broadcast %broadcast_in_dim3A_35 : vector<128x1xf32> to vector<128x128xf32>
    %broadcast_in_dim3A_37 = vector.broadcast %jit3A : f32 to vector<128x128xf32>
    %select_n3A = arith.select %eq3A_34, %broadcast_in_dim3A_36, %broadcast_in_dim3A_37 : vector<128x128xi1>, vector<128x128xf32>
    %reduce_sum3A_38 = arith.constant dense<0.000000e+00> : vector<128xf32>
    %reduce_sum3A_39 = vector.multi_reduction <add>, %select_n3A, %reduce_sum3A_38 [0] : vector<128x128xf32> to vector<128xf32>
    %broadcast_in_dim3A_40 = vector.shape_cast %reduce_sum3A_39 : vector<128xf32> to vector<1x128xf32>
    %swap3A = arith.constant 0 : index
    %swap3A_41 = arith.constant 0 : index
    %swap3A_42 = arith.constant 0 : index
    %swap3A_43 = vector.load %arg5[%swap3A, %swap3A_41, %swap3A_42] : memref<1x1x128xf32, #tpu.memory_space<vmem>>, vector<1x1x128xf32>
    %swap3A_44 = vector.shape_cast %swap3A_43 : vector<1x1x128xf32> to vector<1x128xf32>
    %swap3A_45 = vector.shape_cast %broadcast_in_dim3A_40 : vector<1x128xf32> to vector<1x1x128xf32>
    tpu.vector_store %arg5[%swap3A, %swap3A_41, %swap3A_42], %swap3A_45 {strides = array<i32>} : memref<1x1x128xf32, #tpu.memory_space<vmem>>, vector<1x1x128xf32>,
    return
  }
  func.func @transform_0(%arg0: i32) -> (i32, i32, i32) {
    %c0_i32 = arith.constant 0 : i32
    %c0_i32_0 = arith.constant 0 : i32
    %c0_i32_1 = arith.constant 0 : i32
    return %arg0, %c0_i32, %c0_i32_0 : i32, i32, i32
  }
  func.func @transform_1(%arg0: i32) -> (i32, i32, i32) {
    %c0_i32 = arith.constant 0 : i32
    %c0_i32_0 = arith.constant 0 : i32
    %c0_i32_1 = arith.constant 0 : i32
    return %arg0, %c0_i32, %c0_i32_0 : i32, i32, i32
  }
  func.func @transform_2(%arg0: i32) -> (i32, i32, i32) {
    %c0_i32 = arith.constant 0 : i32
    %c0_i32_0 = arith.constant 0 : i32
    %c0_i32_1 = arith.constant 0 : i32
    return %arg0, %c0_i32, %c0_i32_0 : i32, i32, i32
  }
  func.func @transform_3(%arg0: i32) -> (i32, i32, i32) {
    %c0_i32 = arith.constant 0 : i32
    %c0_i32_0 = arith.constant 0 : i32
    %c0_i32_1 = arith.constant 0 : i32
    return %arg0, %c0_i32, %c0_i32_0 : i32, i32, i32
  }
  func.func @transform_4(%arg0: i32) -> (i32, i32, i32) {
    %c0_i32 = arith.constant 0 : i32
    %c0_i32_0 = arith.constant 0 : i32
    %c0_i32_1 = arith.constant 0 : i32
    return %arg0, %c0_i32, %c0_i32_0 : i32, i32, i32
  }
}

module attributes {stable_mosaic.version = 14 : i64} {
  func.func @_eig_body(%arg0: i32, %arg1: memref<1x392x128xf32, #tpu.memory_space<vmem>>, %arg2: memref<1x392x128xf32, #tpu.memory_space<vmem>>, %arg3: memref<1x2x128xf32, #tpu.memory_space<vmem>>) attributes {dimension_semantics = [#tpu.dimension_semantics<arbitrary>], iteration_bounds = array<i64: 4>, scalar_prefetch = 0 : i64, scratch_operands = 0 : i64, tpu.core_type = #tpu.core_type<tc>, window_params = [{transform_indices = @transform_0, window_bounds = array<i64: 1, 392, 128>}, {transform_indices = @transform_1, window_bounds = array<i64: 1, 392, 128>}, {transform_indices = @transform_2, window_bounds = array<i64: 1, 2, 128>}]} {
    %broadcast_in_dim3A = arith.constant 0.000000e+00 : f32
    %broadcast_in_dim3A_0 = vector.broadcast %broadcast_in_dim3A : f32 to vector<1x128xf32>
    %scan3A = arith.constant 0 : i32
    %scan3A_1 = arith.constant 7 : i32
    %scan3A_2 = arith.addi %scan3A, %scan3A_1 : i32
    %scan3A_3 = arith.constant 1 : i32
    %scan3A_4:2 = scf.for %scan3A_17 = %scan3A to %scan3A_2 step %scan3A_3 iter_args(%scan3A_18 = %broadcast_in_dim3A_0, %scan3A_19 = %broadcast_in_dim3A_0) -> (vector<1x128xf32>, vector<1x128xf32>)  : i32 {
      %mul3A = arith.constant 56 : i32
      %mul3A_20 = arith.muli %scan3A_17, %mul3A : i32
      %get3A = arith.constant 0 : index
      %get3A_21 = arith.index_cast %mul3A_20 : i32 to index
      %get3A_22 = arith.constant 0 : index
      %get3A_23 = vector.load %arg1[%get3A, %get3A_21, %get3A_22] : memref<1x392x128xf32, #tpu.memory_space<vmem>>, vector<1x56x128xf32>
      %get3A_24 = vector.shape_cast %get3A_23 : vector<1x56x128xf32> to vector<56x128xf32>
      %get3A_25 = arith.constant 0 : index
      %get3A_26 = arith.index_cast %mul3A_20 : i32 to index
      %get3A_27 = arith.constant 0 : index
      %get3A_28 = vector.load %arg2[%get3A_25, %get3A_26, %get3A_27] : memref<1x392x128xf32, #tpu.memory_space<vmem>>, vector<1x56x128xf32>
      %get3A_29 = vector.shape_cast %get3A_28 : vector<1x56x128xf32> to vector<56x128xf32>
      %log3A = math.log %get3A_29 : vector<56x128xf32>
      %log3A_30 = math.log %get3A_24 : vector<56x128xf32>
      %sub3A = arith.subf %log3A, %log3A_30 : vector<56x128xf32>
      %reduce_sum3A = arith.constant dense<0.000000e+00> : vector<128xf32>
      %reduce_sum3A_31 = vector.multi_reduction <add>, %sub3A, %reduce_sum3A [0] : vector<56x128xf32> to vector<128xf32>
      %broadcast_in_dim3A_32 = vector.shape_cast %reduce_sum3A_31 : vector<128xf32> to vector<1x128xf32>
      %add3A = arith.addf %scan3A_18, %broadcast_in_dim3A_32 : vector<1x128xf32>
      %mul3A_33 = arith.mulf %sub3A, %sub3A : vector<56x128xf32>
      %reduce_sum3A_34 = arith.constant dense<0.000000e+00> : vector<128xf32>
      %reduce_sum3A_35 = vector.multi_reduction <add>, %mul3A_33, %reduce_sum3A_34 [0] : vector<56x128xf32> to vector<128xf32>
      %broadcast_in_dim3A_36 = vector.shape_cast %reduce_sum3A_35 : vector<128xf32> to vector<1x128xf32>
      %add3A_37 = arith.addf %scan3A_19, %broadcast_in_dim3A_36 : vector<1x128xf32>
      scf.yield %add3A, %add3A_37 : vector<1x128xf32>, vector<1x128xf32>
    }
    %scan3A_5 = arith.constant 7 : i32
    %swap3A = arith.constant 0 : index
    %swap3A_6 = arith.constant 0 : index
    %swap3A_7 = arith.constant 0 : index
    %swap3A_8 = vector.load %arg3[%swap3A, %swap3A_6, %swap3A_7] : memref<1x2x128xf32, #tpu.memory_space<vmem>>, vector<1x1x128xf32>
    %swap3A_9 = vector.shape_cast %swap3A_8 : vector<1x1x128xf32> to vector<1x128xf32>
    %swap3A_10 = vector.shape_cast %scan3A_4#0 : vector<1x128xf32> to vector<1x1x128xf32>
    tpu.vector_store %arg3[%swap3A, %swap3A_6, %swap3A_7], %swap3A_10 {strides = array<i32>} : memref<1x2x128xf32, #tpu.memory_space<vmem>>, vector<1x1x128xf32>,
    %swap3A_11 = arith.constant 0 : index
    %swap3A_12 = arith.constant 1 : index
    %swap3A_13 = arith.constant 0 : index
    %swap3A_14 = vector.load %arg3[%swap3A_11, %swap3A_12, %swap3A_13] : memref<1x2x128xf32, #tpu.memory_space<vmem>>, vector<1x1x128xf32>
    %swap3A_15 = vector.shape_cast %swap3A_14 : vector<1x1x128xf32> to vector<1x128xf32>
    %swap3A_16 = vector.shape_cast %scan3A_4#1 : vector<1x128xf32> to vector<1x1x128xf32>
    tpu.vector_store %arg3[%swap3A_11, %swap3A_12, %swap3A_13], %swap3A_16 {strides = array<i32>} : memref<1x2x128xf32, #tpu.memory_space<vmem>>, vector<1x1x128xf32>,
    return
  }
  func.func @transform_0(%arg0: i32) -> (i32, i32, i32) {
    %c0_i32 = arith.constant 0 : i32
    %c0_i32_0 = arith.constant 0 : i32
    %c0_i32_1 = arith.constant 0 : i32
    return %arg0, %c0_i32, %c0_i32_0 : i32, i32, i32
  }
  func.func @transform_1(%arg0: i32) -> (i32, i32, i32) {
    %c0_i32 = arith.constant 0 : i32
    %c0_i32_0 = arith.constant 0 : i32
    %c0_i32_1 = arith.constant 0 : i32
    return %arg0, %c0_i32, %c0_i32_0 : i32, i32, i32
  }
  func.func @transform_2(%arg0: i32) -> (i32, i32, i32) {
    %c0_i32 = arith.constant 0 : i32
    %c0_i32_0 = arith.constant 0 : i32
    %c0_i32_1 = arith.constant 0 : i32
    return %arg0, %c0_i32, %c0_i32_0 : i32, i32, i32
  }
}

</mosaic_0001>

<sc_bundles>
// kernel: _run.5.cloned.1.call-start
scs
__scs_entry_jumppad:
0x0: {  	(pc) =	sbr.rel $0x88, $3  }
0x1: {  	(tag) =	ssettag $0x0;
	lr =	simm.s32 $0x1  }
0x2: {  	[smem:$0x3F9E] =	sst lr;
	_ =	strace $0xD0000000  }
0x3: {  	_ = 	snop  }
0x4: {  	_ = 	snop  }
0x5: {  	_ = 	snop  }
0x6: {  	_ = 	snop  }
0x7: {  	_ = 	snop  }
__scs_overlays_trampoline_lowered:
0x8: {  	[smem:$0x3FAD] =	sst s0  }
0x9: {  	[smem:$0x3FAE] =	sst s1  }
0xa: {  	[smem:$0x3FAF] =	sst s2  }
0xb: {  	[smem:$0x3FB0] =	sst s3  }
0xc: {  	[smem:$0x3FB1] =	sst s4  }
0xd: {  	[smem:$0x3FB2] =	sst s5  }
0xe: {  	[smem:$0x3FB3] =	sst s6  }
0xf: {  	[smem:$0x3FB4] =	sst s7  }
0x10: {  	[smem:$0x3FB5] =	sst s8  }
0x11: {  	[smem:$0x3FB6] =	sst s9;
	s0 =	simm.s32 @!p0 $0x0  }
0x12: {  	s1 =	sld [smem:$0x3F9C];
	s0 =	simm.s32 @p0 $0x1  }
0x13: {  	[smem:$0x3FB7] =	sst s0;
	s0 =	simm.s32 @!p1 $0x0  }
0x14: {  	s2 =	sld [smem:$0x3F9B];
	s0 =	simm.s32 @p1 $0x1  }
0x15: {  	[smem:$0x3FB8] =	sst s0;
	s0 =	simm.s32 @!p2 $0x0  }
0x16: {  	s3 =	sld [smem:$0x3FDB];
	s0 =	simm.s32 @p2 $0x1  }
0x17: {  	s4 =	simm.s32 $0x1BF5;
	[smem:$0x3FBA] =	sst s0  }
0x18: {  	s0 =	sld [smem:$0x3F9D];
	_ =	swait.ge [sflag:s4], $0x0  }
0x19: {  	s7 =	sld [smem:$0x3F9E]  }
0x1a: {  	s8 =	sadd.s32 $0xFFFFE003, lr  }
0x1b: {  	s9 =	sadd.s32 $0xFFFFFEF7, lr;
	s5 =	simm.s32 $0xFFFFFFFF;
	p2 =	slt.u32 s8, $0xFFFFF086  }
0x1c: {  	p1 =	slt.u32 s9, $0xF7A;
	s5 =	simm.s32 @!p2 $0x0  }
0x1d: {  	s5 =	simm.s32 @p1 $0x1;
	p0 =	seq.s32 s7, s2  }
0x1e: {  	s7 =	smul.u32 @!p0 $0xF7A, s2;
	p2 =	seq.s32 @!p0 s5, $0x0  }
0x1f: {  	s9 =	smul.u32 $0xF7A, s1;
	s8 =	simm.s32 @!p0 $0x1BF5;
	p2 =	por !p2, p0  }
0x20: {  	[sflag:s8] =	ssyncset.s32 @!p0 $0xFFFFF086;
	s6 =	sadd.s32 @!p0 s3, s7;
	s7 =	simm.s32 @!p0 $0x108  }
0x21: {  	s3 =	sadd.s32 s3, s9;
	s6 =	sadd.s32 @!p0 $0x88, s6;
	s7 =	simm.s32 @p2 $0x1082  }
0x22: {  	[simem:s7], [sflag:s8] =	dma.local @!p0 [hbm:s6], $0xF7A  }
0x23: {  	s9 =	sor.u32 $0xD0000000, s2;
	s6 =	simm.s32 $0x108;
	_ =	swait.ge @!p0 [sflag:s8], $0x0  }
0x24: {  	s3 =	sadd.s32 $0x88, s3;
	s6 =	simm.s32 @!p1 $0x1082;
	[sflag:s4] =	ssyncset.s32 $0xFFFFF086  }
0x25: {  	[simem:s6], [sflag:s4] =	dma.local [hbm:s3], $0xF7A  }
0x26: {  	[smem:$0x3F9E] =	sst s1;
	(tag) =	ssettag s2;
	_ =	strace s9  }
0x27: {  	s1 =	sld [smem:$0x3FAE]  }
0x28: {  	s2 =	sld [smem:$0x3FAF]  }
0x29: {  	s4 =	sld [smem:$0x3FB1]  }
0x2a: {  	p0 =	seq.s32 s5, $0x0;
	s5 =	sld [smem:$0x3FB2]  }
0x2b: {  	s6 =	sld [smem:$0x3FB3]  }
0x2c: {  	s7 =	sld [smem:$0x3FB4]  }
0x2d: {  	s3 =	simm.s32 $0x108;
	s8 =	sld [smem:$0x3FB5]  }
0x2e: {  	s3 =	simm.s32 @!p0 $0x1082;
	s9 =	sld [smem:$0x3FB6]  }
0x2f: {  	lr =	sadd.s32 s0, s3;
	s0 =	sld [smem:$0x3FAD]  }
0x30: {  	s3 =	sld [smem:$0x3FB0]  }
0x31: {  	[smem:$0x3FB9] =	sst s10  }
0x32: {  	s10 =	sld [smem:$0x3FB7];
	_ =	sdelay $0x3  }
0x33: {  	p0 =	seq.s32 s10, $0x1;
	s10 =	sld [smem:$0x3FB9];
	_ =	sdelay $0x3  }
0x34: {  	[smem:$0x3FB9] =	sst s10  }
0x35: {  	s10 =	sld [smem:$0x3FB8];
	_ =	sdelay $0x3  }
0x36: {  	p1 =	seq.s32 s10, $0x1;
	s10 =	sld [smem:$0x3FB9];
	_ =	sdelay $0x3  }
0x37: {  	[smem:$0x3FB9] =	sst s10  }
0x38: {  	s10 =	sld [smem:$0x3FBA]  }
0x39: {  	_ = 	snop;
	(pc) =	sbr.ind lr, $3  }
0x3a: {  	_ = 	snop  }
0x3b: {  	_ = 	snop  }
0x3c: {  	p2 =	seq.s32 s10, $0x1;
	s10 =	sld [smem:$0x3FB9]  }
0x3d: {  	_ =	shalt  }
0x3e: {  	_ =	shalt  }
0x3f: {  	_ =	shalt  }
0x40: {  	_ =	shalt  }
0x41: {  	_ =	shalt  }
0x42: {  	_ =	shalt  }
0x43: {  	_ =	shalt  }
0x44: {  	_ =	shalt  }
0x45: {  	_ =	shalt  }
0x46: {  	_ =	shalt  }
0x47: {  	_ =	shalt  }
0x48: {  	_ =	shalt  }
0x49: {  	_ =	shalt  }
0x4a: {  	_ =	shalt  }
0x4b: {  	_ =	shalt  }
0x4c: {  	_ =	shalt  }
0x4d: {  	_ =	shalt  }
0x4e: {  	_ =	shalt  }
0x4f: {  	_ =	shalt  }
0x50: {  	_ =	shalt  }
0x51: {  	_ =	shalt  }
0x52: {  	_ =	shalt  }
0x53: {  	_ =	shalt  }
0x54: {  	_ =	shalt  }
0x55: {  	_ =	shalt  }
0x56: {  	_ =	shalt  }
0x57: {  	_ =	shalt  }
0x58: {  	_ =	shalt  }
0x59: {  	_ =	shalt  }
0x5a: {  	_ =	shalt  }
0x5b: {  	_ =	shalt  }
0x5c: {  	_ =	shalt  }
0x5d: {  	_ =	shalt  }
0x5e: {  	_ =	shalt  }
0x5f: {  	_ =	shalt  }
0x60: {  	_ =	shalt  }
0x61: {  	_ =	shalt  }
0x62: {  	_ =	shalt  }
0x63: {  	_ =	shalt  }
0x64: {  	_ =	shalt  }
0x65: {  	_ =	shalt  }
0x66: {  	_ =	shalt  }
0x67: {  	_ =	shalt  }
0x68: {  	_ =	shalt  }
0x69: {  	_ =	shalt  }
0x6a: {  	_ =	shalt  }
0x6b: {  	_ =	shalt  }
0x6c: {  	_ =	shalt  }
0x6d: {  	_ =	shalt  }
0x6e: {  	_ =	shalt  }
0x6f: {  	_ =	shalt  }
0x70: {  	_ =	shalt  }
0x71: {  	_ =	shalt  }
0x72: {  	_ =	shalt  }
0x73: {  	_ =	shalt  }
0x74: {  	_ =	shalt  }
0x75: {  	_ =	shalt  }
0x76: {  	_ =	shalt  }
0x77: {  	_ =	shalt  }
0x78: {  	_ =	shalt  }
0x79: {  	_ =	shalt  }
0x7a: {  	_ =	shalt  }
0x7b: {  	_ =	shalt  }
0x7c: {  	_ =	shalt  }
0x7d: {  	_ =	shalt  }
0x7e: {  	_ =	shalt  }
0x7f: {  	_ =	shalt  }
0x80: {  	_ =	shalt  }
0x81: {  	_ =	shalt  }
0x82: {  	_ =	shalt  }
0x83: {  	_ =	shalt  }
0x84: {  	_ =	shalt  }
0x85: {  	_ =	shalt  }
0x86: {  	_ =	shalt  }
0x87: {  	_ =	shalt  }
.Lfunc_end0:
.L_simem_size_0:
called_computation_lowered:
.L_overlay_start_0:
0x88: {  	s2 =	sld [smem:$0x3FD9]  }
0x89: {  	s3 =	sld [smem:$0x3FFE];
	_ =	sdelay $0x1  }
0x8a: {  	s1 =	srdreg.scid  }
0x8b: {  	s0 =	sand.u32 $0x1, s1  }
0x8c: {  	s16 =	sshll.u32 s0, $0xA;
	s2 =	sadd.s32 s3, s2  }
0x8d: {  	s2 =	sadd.s32 s2, s16  }
0x8e: {  	[smem:$0x3FC5] =	sst s2  }
0x8f: {  	_ = 	snop  }
0x90: {  	(tm) =	ssettm $0x1  }
0x91: {  	s17 =	sld [smem:$0x3FFB];
	_ =	sdelay $0x3  }
0x92: {  	_ =	strace s17  }
0x93: {  	s2 =	sld [smem:$0x3FFC];
	_ =	sdelay $0x3  }
0x94: {  	_ =	strace s2  }
0x95: {  	s2 =	sld [smem:$0x3FFD];
	_ =	sdelay $0x3  }
0x96: {  	_ =	strace s2  }
0x97: {  	_ =	strace $0x8FFFFFFF  }
0x98: {  	s18 =	sld [smem:$0x3FDB];
	_ =	sdelay $0x1  }
0x99: {  	s19 =	simm.s32 $_scs_section_size  }
0x9a: {  	s4 =	simm.s32 $_size__tile_overlayer_lowered;
	s5 =	simm.s32 $_tile_overlayer_lowered  }
0x9b: {  	s22 =	simm.s32 $0x1BFF;
	s21 =	sshll.u32 s5, $0x1;
	s2 =	sadd.s32 s19, s18  }
0x9c: {  	s6 =	simm.s32 $0x0;
	s20 =	sshll.u32 s4, $0x1;
	s4 =	sadd.s32 s21, s2  }
0x9d: {  	[timem:s6], [sflag:s22] =	dma.local [hbm:s4], s20  }
0x9e: {  	_ =	swait.ge [sflag:s22], s20  }
0x9f: {  	s3 =	ssub.s32 $0x0, s20;
	[sflag:s22] =	ssyncset.done $0x0  }
0xa0: {  	[sflag:s22] =	ssyncadd.s32 s3;
	_ =	sdelay $0x1  }
0xa1: {  	s23 =	simm.s32 $0x1B8B  }
0xa2: {  	_ =	swait.ge [sflag:s23], $0x1  }
0xa3: {  	[sflag:s23] =	ssyncset.done $0x0  }
0xa4: {  	s25 =	simm.s32 $0x1B8E;
	s24 =	sld [smem:$0x3FFE];
	[sflag:s23] =	ssyncadd.s32 $0xFFFFFFFF  }
0xa5: {  	s26 =	simm.s32 $execute0_lowered;
	[smem:$0x3FD2] =	sst s25  }
0xa6: {  	s4 =	sshll.u32 s26, $0x1;
	_ =	strace $0x80000046;
	[dreg:$0x1] =	wrdreg $0xFFFFFFFF  }
0xa7: {  	s28 =	simm.s32 $_size_execute0_lowered;
	s2 =	sadd.s32 s2, s4;
	[dreg:$0x0] =	wrdreg $0x0  }
0xa8: {  	s4 =	sshll.u32 s28, $0x1;
	[dreg:$0x2] =	wrdreg s2  }
0xa9: {  	[dreg:$0x3] =	wrdreg s4  }
0xaa: {  	[dreg:$0x4] =	wrdreg $0xC0  }
0xab: {  	_ =	task [dreg:s6], $0x5FFFF  }
0xac: {  	[dreg:$0x1] =	wrdreg $0xFFFFFFFF  }
0xad: {  	[dreg:$0x0] =	wrdreg $0x60  }
0xae: {  	[dreg:$0x2] =	wrdreg s24  }
0xaf: {  	[dreg:$0x3] =	wrdreg $0x9  }
0xb0: {  	_ =	task.clear_ibuf [dreg:s6], $0x4FFFF;
	_ =	strace $0x90000046  }
0xb1: {  	s29 =	simm.s32 $0x9;
	_ =	strace $0x80000048  }
0xb2: {  	_ =	swait.ge [sflag:s29], $0x1  }
0xb3: {  	[sflag:s29] =	ssyncadd.s32 $0xFFFFFFFF  }
0xb4: {  	_ =	strace $0x90000048  }
0xb5: {  	_ =	sfence  }
0xb6: {  	s30 =	sld [smem:$0x0];
	_ =	sdelay $0x2  }
0xb7: {  	s31 =	sshll.u32 s1, $0xD;
	s1 =	sshrl.u32 s1, $0x2  }
0xb8: {  	s3 =	sand.u32 $0x4000, s31;
	s1 =	sadd.s32 s1, s30  }
0xb9: {  	s0 =	sor.u32 s3, s0;
	s1 =	sshll.u32 s1, $0x11  }
0xba: {  	s0 =	sor.u32 s1, s0  }
0xbb: {  	s0 =	sadd.s32 $0x8F2B, s0  }
0xbc: {  	[sflag:s0] =	ssyncadd.remote.s32 $0x1  }
0xbd: {  	_ =	sfence.sel $0xFFFF  }
0xbe: {  	[dreg:$0x0] =	wrdreg $0xFFFFFFFF;
	(pc) =	sbr.abs _section_cstart, $3  }
0xbf: {  	[dreg:$0x1] =	wrdreg $0xFFFFFFFF  }
0xc0: {  	_ =	task.clear_ibuf [dreg:s6], $0x2FFFF;
	_ =	strace $0x9FFFFFFF  }
0xc1: {  	(tm) =	ssettm $0x7FFFFFFF  }
tec
execute0_lowered:
.L_overlay_start_1:
0x0: {  	(tag) =	ssettag $0x1  }
0x1: {  	s0 =	srdreg.scid;
	s3 =	simm.s32 $0x1  }
0x2: {  	s7 =	rddreg [dreg:$0x0];
	s2 =	simm.s32 $0x0;
	s12 =	simm.s32 $0x1A00  }
0x3: {  	s13 =	simm.s32 $0x1B80;
	s14 =	simm.s32 $0x1C00;
	s15 =	simm.s32 $0x1B00  }
0x4: {  	s16 =	simm.s32 $0x0;
	s4 =	sand.u32 $0x1, s0;
	s0 =	stileid.u32  }
0x5: {  	[smem:$0x7FF] =	sst s2;
	s1 =	sshll.u32 s4, $0x4;
	s6 =	sand.u32 $0x7, s0  }
0x6: {  	s10 =	sshll.u32 s0, $0x4;
	s4 =	ssub.s32 $0x2, s4;
	s5 =	sor.u32 s0, s1  }
0x7: {  	p1 =	sne.s32 s6, $0x0;
	s1 =	rddreg [dreg:$0x1];
	p0 =	seq.s32 s5, $0x0  }
0x8: {  	_ =	strace $0x80000047;
	s10 =	sand.u32 $0x70, s10;
	p0 =	por !p1, !p0  }
0x9: {  	s6 =	smul.u32 $0x1880, s6;
	s30 =	sshrl.u32 s4, $0x1;
	p0 =	por !p0, !p0  }
0xa: {  	v0 =	vimm.f32 $1.000000000e+10;
	s8 =	sshrl.u32 s5, $0x3;
	s5 =	sshll.u32 s5, $0x4;
	s3 =	simm.s32 @!p0 $0x0  }
0xb: {  	v1 =	vimm.f32 $-1.000000000e+10;
	v2 =	vimm.s32 $0x3F;
	v3 =	vimm.s32 $0x0;
	s11 =	ssub.s32 s4, s30;
	s5 =	sand.u32 $0x180, s5;
	s8 =	ssub.s32 s8, s3  }
0xc: {  	v4 =	vimm.s32 $0x1;
	v5 =	vimm.f32 $0.0e+00;
	v6 =	vimm.s32 $0xF;
	s5 =	sor.u32 s10, s5;
	s9 =	sshll.u32 s8, $0x4;
	s8 =	smul.u32 $0xC400, s8  }
.Ltmp0:
0xd: {  	v7 =	vimm.s32 $0x1F;
	v8 =	vimm.s32 $0x2F;
	v9 =	vimm.s32 $0x4F;
	s10 =	sadd.s32 s5, s7;
	s9 =	sand.u32 $0x1FFFFFF0, s9;
	(pc) =	sbr.rel .LBB2_1-.Ltmp0, $4  }
0xe: {  	v10 =	vimm.s32 $0x5F;
	v11 =	vimm.s32 $0x6F;
	v12 =	vimm.s32 $0x7F;
	s3 =	simm.s32 $0x1;
	s9 =	sadd.s32 s9, s7;
	s6 =	sadd.s32 s6, s8  }
0xf: {  	v13 =	vlaneseq.u32;
	v14 =	vimm.s32 $0x80;
	v15 =	vimm.s32 $0x70;
	s8 =	sadd.s32 $0x6400, s10;
	s4 =	sadd.s32 $0x6200, s9;
	s31 =	sshrl.u32 s6, $0x3  }
0x10: {  	v16 =	vimm.s32 $0x60;
	v17 =	vimm.s32 $0x50;
	v18 =	vimm.s32 $0x40;
	s6 =	sadd.s32 $0x6600, s10;
	s9 =	smax.u32 s11, $0x1;
	s11 =	simm.s32 $0x1900  }
0x11: {  	v19 =	vimm.s32 $0x30;
	v20 =	vimm.s32 $0x20;
	v21 =	vimm.s32 $0x10;
	s5 =	sadd.s32 s7, s31;
	s7 =	sadd.s32 $0x6800, s10;
	s10 =	simm.s32 $0x80  }
.LBB2_15:
0x12: {  	[tilespmem:$0x1B80] =	vst v24  }
0x13: {  	[tilespmem:$0x1C00] =	vst v22  }
0x14: {  	[hbm4b:s6+s2] =	stream.linear.scatter [tilespmem:s13], [sflag:$0x1], $0x80, $0x38;
	[tilespmem:$0x1C80] =	vst v63  }
0x15: {  	_ =	swait.ge [sflag:s3], $0x80  }
0x16: {  	[sflag:s3] =	ssyncset.done $0x0  }
0x17: {  	[sflag:s3] =	ssyncadd.s32 $0xFFFFFF80  }
0x18: {  	[hbm4b:s7+s2] =	stream.linear.scatter [tilespmem:s14], [sflag:$0x1], $0x80, $0x38;
	[tilespmem:$0x1C80] =	vst v63  }
0x19: {  	_ =	swait.ge [sflag:s3], $0x80  }
0x1a: {  	[sflag:s3] =	ssyncset.done $0x0  }
0x1b: {  	[sflag:s3] =	ssyncadd.s32 $0xFFFFFF80  }
0x1c: {  	v22 =	vld [tilespmem:$0x1A00];
	_ =	sdelay $0x4  }
0x1d: {  	(xrf0) =	vmax.scan.msk.f32 $0xffff, v22;
	_ =	sdelay $0x1  }
0x1e: {  	v22 =	vld [tilespmem:$0x1A10];
	_ =	sdelay $0x3  }
0x1f: {  	v23, _, _ =	vpop (xrf0)  }
0x20: {  	(xrf0) =	vmax.scan.msk.f32 $0xffff, v22;
	v23 =	vmax.f32 v23, $-1.000000000e+10  }
0x21: {  	[tilespmem:$0x1A00] =	vst v23;
	v23 =	vld [tilespmem:$0x1A20]  }
0x22: {  	v22 =	vld.idx.msk [tilespmem:v6+s12+$0x0], $0xffff;
	_ =	sdelay $0x3  }
0x23: {  	v39, _, _ =	vpop (xrf0)  }
0x24: {  	(xrf0) =	vmax.scan.msk.f32 $0xffff, v23;
	v22 =	vmax.f32 v39, v22  }
0x25: {  	v23 =	vld [tilespmem:$0x1A30];
	[tilespmem:$0x1A10] =	vst v22  }
0x26: {  	v22 =	vld.idx.msk [tilespmem:v7+s12+$0x0], $0xffff;
	_ =	sdelay $0x3  }
0x27: {  	v40, _, _ =	vpop (xrf0)  }
0x28: {  	(xrf0) =	vmax.scan.msk.f32 $0xffff, v23;
	v22 =	vmax.f32 v40, v22  }
0x29: {  	v23 =	vld [tilespmem:$0x1A40];
	[tilespmem:$0x1A20] =	vst v22  }
0x2a: {  	v22 =	vld.idx.msk [tilespmem:v8+s12+$0x0], $0xffff;
	_ =	sdelay $0x3  }
0x2b: {  	v41, _, _ =	vpop (xrf0)  }
0x2c: {  	(xrf0) =	vmax.scan.msk.f32 $0xffff, v23;
	v22 =	vmax.f32 v41, v22  }
0x2d: {  	v23 =	vld [tilespmem:$0x1A50];
	[tilespmem:$0x1A30] =	vst v22  }
0x2e: {  	v22 =	vld.idx.msk [tilespmem:v2+s12+$0x0], $0xffff;
	_ =	sdelay $0x3  }
0x2f: {  	v42, _, _ =	vpop (xrf0)  }
0x30: {  	(xrf0) =	vmax.scan.msk.f32 $0xffff, v23;
	v22 =	vmax.f32 v42, v22  }
0x31: {  	v23 =	vld [tilespmem:$0x1A60];
	[tilespmem:$0x1A40] =	vst v22  }
0x32: {  	v22 =	vld.idx.msk [tilespmem:v9+s12+$0x0], $0xffff;
	_ =	sdelay $0x3  }
0x33: {  	v43, _, _ =	vpop (xrf0)  }
0x34: {  	(xrf0) =	vmax.scan.msk.f32 $0xffff, v23;
	v22 =	vmax.f32 v43, v22  }
0x35: {  	v23 =	vld [tilespmem:$0x1A70];
	[tilespmem:$0x1A50] =	vst v22  }
0x36: {  	v22 =	vld.idx.msk [tilespmem:v10+s12+$0x0], $0xffff  }
0x37: {  	v44 =	vld [tilespmem:$0x1980];
	_ =	sdelay $0x1  }
0x38: {  	v25 =	vmul.u32 $0xFFFFFFFF, v13  }
0x39: {  	v26 =	vld [tilespmem:$0x1A80];
	v27, _, _ =	vpop (xrf0)  }
0x3a: {  	v25 =	vadd.s32 $0xF, v25;
	(xrf0) =	vmax.scan.msk.f32 $0xffff, v23;
	v22 =	vmax.f32 v27, v22  }
0x3b: {  	v23 =	vperm.xlane v44, v25;
	[tilespmem:$0x1A60] =	vst v22  }
0x3c: {  	v22 =	vld.idx.msk [tilespmem:v11+s12+$0x0], $0xffff  }
0x3d: {  	v23 =	vsub.f32 $0.0e+00, v23  }
0x3e: {  	(xrf0) =	vmax.scan.msk.f32 $0xffff, v26  }
0x3f: {  	(xrf0) =	vmax.scan.msk.f32 $0xffff, v23;
	v23 =	vld [tilespmem:$0x1970]  }
0x40: {  	v45, _, _ =	vpop (xrf0)  }
0x41: {  	v22 =	vmax.f32 v45, v22;
	_ =	sdelay $0x1  }
0x42: {  	[tilespmem:$0x1A70] =	vst v22  }
0x43: {  	v23 =	vperm.xlane v23, v25;
	v46 =	vld.idx.msk [tilespmem:v12+s12+$0x0], $0xffff;
	v22, _, _ =	vpop (xrf0)  }
0x44: {  	v47, _, _ =	vpop (xrf0)  }
0x45: {  	v23 =	vsub.f32 $0.0e+00, v23;
	v26 =	vsub.f32 $0.0e+00, v47;
	_ =	sdelay $0x1  }
0x46: {  	(xrf0) =	vmax.scan.msk.f32 $0xffff, v23;
	v23 =	vld [tilespmem:$0x1960];
	v26 =	vmin.f32 v26, $1.000000000e+10  }
0x47: {  	v22 =	vmax.f32 v22, v46;
	v48 =	vperm.xlane v26, v25  }
0x48: {  	[tilespmem:$0x1A80] =	vst v22  }
0x49: {  	[tilespmem:$0x1980] =	vst v48  }
0x4a: {  	v22 =	vld.idx.msk [tilespmem:v14+s11+$0x0], $0xffff  }
0x4b: {  	v23 =	vperm.xlane v23, v25  }
0x4c: {  	v49, _, _ =	vpop (xrf0)  }
0x4d: {  	v23 =	vsub.f32 $0.0e+00, v23;
	v24 =	vsub.f32 $0.0e+00, v49;
	_ =	sdelay $0x1  }
0x4e: {  	(xrf0) =	vmax.scan.msk.f32 $0xffff, v23;
	v23 =	vld [tilespmem:$0x1950];
	v22 =	vmin.f32 v24, v22  }
0x4f: {  	v22 =	vperm.xlane v22, v25;
	_ =	sdelay $0x1  }
0x50: {  	[tilespmem:$0x1970] =	vst v22  }
0x51: {  	v22 =	vld.idx.msk [tilespmem:v15+s11+$0x0], $0xffff  }
0x52: {  	v23 =	vperm.xlane v23, v25  }
0x53: {  	v50, _, _ =	vpop (xrf0)  }
0x54: {  	v23 =	vsub.f32 $0.0e+00, v23;
	v24 =	vsub.f32 $0.0e+00, v50;
	_ =	sdelay $0x1  }
0x55: {  	(xrf0) =	vmax.scan.msk.f32 $0xffff, v23;
	v23 =	vld [tilespmem:$0x1940];
	v22 =	vmin.f32 v24, v22  }
0x56: {  	v22 =	vperm.xlane v22, v25;
	_ =	sdelay $0x1  }
0x57: {  	[tilespmem:$0x1960] =	vst v22  }
0x58: {  	v22 =	vld.idx.msk [tilespmem:v16+s11+$0x0], $0xffff  }
0x59: {  	v23 =	vperm.xlane v23, v25  }
0x5a: {  	v51, _, _ =	vpop (xrf0)  }
0x5b: {  	v23 =	vsub.f32 $0.0e+00, v23;
	v24 =	vsub.f32 $0.0e+00, v51;
	_ =	sdelay $0x1  }
0x5c: {  	(xrf0) =	vmax.scan.msk.f32 $0xffff, v23;
	v23 =	vld [tilespmem:$0x1930];
	v22 =	vmin.f32 v24, v22  }
0x5d: {  	v22 =	vperm.xlane v22, v25;
	_ =	sdelay $0x1  }
0x5e: {  	[tilespmem:$0x1950] =	vst v22  }
0x5f: {  	v22 =	vld.idx.msk [tilespmem:v17+s11+$0x0], $0xffff  }
0x60: {  	v23 =	vperm.xlane v23, v25  }
0x61: {  	v52, _, _ =	vpop (xrf0)  }
0x62: {  	v23 =	vsub.f32 $0.0e+00, v23;
	v24 =	vsub.f32 $0.0e+00, v52;
	_ =	sdelay $0x1  }
0x63: {  	(xrf0) =	vmax.scan.msk.f32 $0xffff, v23;
	v23 =	vld [tilespmem:$0x1920];
	v22 =	vmin.f32 v24, v22  }
0x64: {  	v22 =	vperm.xlane v22, v25;
	_ =	sdelay $0x1  }
0x65: {  	[tilespmem:$0x1940] =	vst v22  }
0x66: {  	v22 =	vld.idx.msk [tilespmem:v18+s11+$0x0], $0xffff  }
0x67: {  	v23 =	vperm.xlane v23, v25  }
0x68: {  	v53, _, _ =	vpop (xrf0)  }
0x69: {  	v23 =	vsub.f32 $0.0e+00, v23;
	v24 =	vsub.f32 $0.0e+00, v53;
	_ =	sdelay $0x1  }
0x6a: {  	(xrf0) =	vmax.scan.msk.f32 $0xffff, v23;
	v23 =	vld [tilespmem:$0x1910];
	v22 =	vmin.f32 v24, v22  }
0x6b: {  	v22 =	vperm.xlane v22, v25;
	_ =	sdelay $0x1  }
0x6c: {  	[tilespmem:$0x1930] =	vst v22  }
0x6d: {  	v22 =	vld.idx.msk [tilespmem:v19+s11+$0x0], $0xffff  }
0x6e: {  	v23 =	vperm.xlane v23, v25  }
0x6f: {  	v54, _, _ =	vpop (xrf0)  }
0x70: {  	v23 =	vsub.f32 $0.0e+00, v23;
	v24 =	vsub.f32 $0.0e+00, v54;
	_ =	sdelay $0x1  }
0x71: {  	(xrf0) =	vmax.scan.msk.f32 $0xffff, v23;
	v23 =	vld [tilespmem:$0x1900];
	v22 =	vmin.f32 v24, v22  }
0x72: {  	v22 =	vperm.xlane v22, v25;
	_ =	sdelay $0x1  }
0x73: {  	[tilespmem:$0x1920] =	vst v22  }
0x74: {  	v22 =	vld.idx.msk [tilespmem:v20+s11+$0x0], $0xffff  }
0x75: {  	v23 =	vperm.xlane v23, v25  }
0x76: {  	v55, _, _ =	vpop (xrf0)  }
0x77: {  	v23 =	vsub.f32 $0.0e+00, v23;
	v24 =	vsub.f32 $0.0e+00, v55;
	_ =	sdelay $0x1  }
0x78: {  	(xrf0) =	vmax.scan.msk.f32 $0xffff, v23;
	v22 =	vmin.f32 v24, v22  }
0x79: {  	v22 =	vperm.xlane v22, v25;
	_ =	sdelay $0x1  }
0x7a: {  	[tilespmem:$0x1910] =	vst v22  }
0x7b: {  	v22 =	vld.idx.msk [tilespmem:v21+s11+$0x0], $0xffff;
	_ =	sdelay $0x1  }
0x7c: {  	v23, _, _ =	vpop (xrf0)  }
0x7d: {  	v23 =	vsub.f32 $0.0e+00, v23  }
0x7e: {  	v56 =	vadd.s32 $0x1, v13  }
0x7f: {  	v22 =	vmin.f32 v23, v22  }
0x80: {  	v22 =	vperm.xlane v22, v25  }
0x81: {  	v23 =	vld [tilespmem:$0x0]  }
0x82: {  	[tilespmem:$0x1900] =	vst v22;
	v22 =	vld [tilespmem:$0x1A00]  }
0x83: {  	v24 =	vld.idx.msk [tilespmem:v56+s11+$0x0], $0xffff;
	_ =	sdelay $0x4  }
0x84: {  	v57 =	vadd.s32 $0x11, v13;
	v22 =	vsub.f32 v23, v22;
	v23 =	vsub.f32 v24, v23;
	_ =	sdelay $0x1  }
0x85: {  	v22 =	vmin.f32 v22, v23  }
0x86: {  	v23 =	vld [tilespmem:$0x10];
	v22 =	vmin.f32 v22, $1.000000000e+10  }
0x87: {  	[tilespmem:$0x1B00] =	vst v22;
	v22 =	vld [tilespmem:$0x1A10]  }
0x88: {  	v24 =	vld.idx.msk [tilespmem:v57+s11+$0x0], $0xffff;
	_ =	sdelay $0x4  }
0x89: {  	v58 =	vadd.s32 $0x21, v13;
	v22 =	vsub.f32 v23, v22;
	v23 =	vsub.f32 v24, v23;
	_ =	sdelay $0x1  }
0x8a: {  	v22 =	vmin.f32 v22, v23  }
0x8b: {  	v23 =	vld [tilespmem:$0x20];
	v22 =	vmin.f32 v22, $1.000000000e+10  }
0x8c: {  	[tilespmem:$0x1B10] =	vst v22;
	v22 =	vld [tilespmem:$0x1A20]  }
0x8d: {  	v24 =	vld.idx.msk [tilespmem:v58+s11+$0x0], $0xffff;
	_ =	sdelay $0x4  }
0x8e: {  	v59 =	vadd.s32 $0x31, v13;
	v22 =	vsub.f32 v23, v22;
	v23 =	vsub.f32 v24, v23;
	_ =	sdelay $0x1  }
0x8f: {  	v22 =	vmin.f32 v22, v23  }
0x90: {  	v23 =	vld [tilespmem:$0x30];
	v22 =	vmin.f32 v22, $1.000000000e+10  }
0x91: {  	[tilespmem:$0x1B20] =	vst v22;
	v22 =	vld [tilespmem:$0x1A30]  }
0x92: {  	v24 =	vld.idx.msk [tilespmem:v59+s11+$0x0], $0xffff;
	_ =	sdelay $0x4  }
0x93: {  	v60 =	vadd.s32 $0x41, v13;
	v22 =	vsub.f32 v23, v22;
	v23 =	vsub.f32 v24, v23;
	_ =	sdelay $0x1  }
0x94: {  	v22 =	vmin.f32 v22, v23  }
0x95: {  	v23 =	vld [tilespmem:$0x40];
	v22 =	vmin.f32 v22, $1.000000000e+10  }
0x96: {  	[tilespmem:$0x1B30] =	vst v22;
	v22 =	vld [tilespmem:$0x1A40]  }
0x97: {  	v24 =	vld.idx.msk [tilespmem:v60+s11+$0x0], $0xffff;
	_ =	sdelay $0x4  }
0x98: {  	v61 =	vadd.s32 $0x51, v13;
	v22 =	vsub.f32 v23, v22;
	v23 =	vsub.f32 v24, v23;
	_ =	sdelay $0x1  }
0x99: {  	v22 =	vmin.f32 v22, v23  }
0x9a: {  	v23 =	vld [tilespmem:$0x50];
	v22 =	vmin.f32 v22, $1.000000000e+10  }
0x9b: {  	[tilespmem:$0x1B40] =	vst v22;
	v22 =	vld [tilespmem:$0x1A50]  }
0x9c: {  	v24 =	vld.idx.msk [tilespmem:v61+s11+$0x0], $0xffff;
	_ =	sdelay $0x4  }
0x9d: {  	v62 =	vadd.s32 $0x61, v13;
	v22 =	vsub.f32 v23, v22;
	v23 =	vsub.f32 v24, v23;
	_ =	sdelay $0x1  }
0x9e: {  	v22 =	vmin.f32 v22, v23  }
0x9f: {  	v23 =	vld [tilespmem:$0x60];
	v22 =	vmin.f32 v22, $1.000000000e+10  }
0xa0: {  	[tilespmem:$0x1B50] =	vst v22;
	v22 =	vld [tilespmem:$0x1A60]  }
0xa1: {  	v24 =	vld.idx.msk [tilespmem:v62+s11+$0x0], $0xffff;
	_ =	sdelay $0x4  }
0xa2: {  	v63 =	vadd.s32 $0x71, v13;
	v22 =	vsub.f32 v23, v22;
	v23 =	vsub.f32 v24, v23;
	_ =	sdelay $0x1  }
0xa3: {  	v22 =	vmin.f32 v22, v23  }
0xa4: {  	v23 =	vld [tilespmem:$0x70];
	v22 =	vmin.f32 v22, $1.000000000e+10  }
0xa5: {  	[tilespmem:$0x1B60] =	vst v22;
	v22 =	vld [tilespmem:$0x1A70]  }
0xa6: {  	v24 =	vld.idx.msk [tilespmem:v63+s11+$0x0], $0xffff;
	_ =	sdelay $0x4  }
0xa7: {  	v22 =	vsub.f32 v23, v22;
	v23 =	vsub.f32 v24, v23;
	_ =	sdelay $0x1  }
0xa8: {  	s16 =	sadd.s32 $0x1, s16;
	v22 =	vmin.f32 v22, v23  }
0xa9: {  	p0 =	sne.s32 s16, s9;
	v22 =	vmin.f32 v22, $1.000000000e+10  }
.Ltmp1:
0xaa: {  	[tilespmem:$0x1B70] =	vst v22;
	(pc) =	sbr.rel @!p0 .LBB2_16-.Ltmp1, $4  }
0xab: {  	[hbm4b:s8+s2] =	stream.linear.scatter [tilespmem:s15], [sflag:$0x1], $0x80, $0x38;
	[tilespmem:$0x1C80] =	vst v63  }
0xac: {  	_ =	swait.ge [sflag:s3], $0x80  }
0xad: {  	[sflag:s3] =	ssyncset.done $0x0  }
0xae: {  	[sflag:s3] =	ssyncadd.s32 $0xFFFFFF80  }
.LBB2_1:
0xaf: {  	[tilespmem:s2], [sflag:$0x1] =	stream.linear.gather [hbm4b:s4+s2], $0x80, $0x38;
	[tilespmem:$0x1C80] =	vst v63  }
0xb0: {  	_ =	swait.ge [sflag:s3], $0x80  }
0xb1: {  	[sflag:s3] =	ssyncset.done $0x0  }
0xb2: {  	[sflag:s3] =	ssyncadd.s32 $0xFFFFFF80  }
0xb3: {  	[tilespmem:s10], [sflag:$0x1] =	stream.linear.gather [hbm4b:s5+s2], $0x1880, $0x38;
	[tilespmem:$0x1C80] =	vst v63  }
0xb4: {  	_ =	swait.ge [sflag:s3], $0x1880  }
0xb5: {  	[sflag:s3] =	ssyncset.done $0x0  }
0xb6: {  	[sflag:s3] =	ssyncadd.s32 $0xFFFFE780  }
0xb7: {  	[tilespmem:$0x1900] =	vst v0  }
0xb8: {  	[tilespmem:$0x1A00] =	vst v1  }
0xb9: {  	[tilespmem:$0x1910] =	vst v0  }
0xba: {  	[tilespmem:$0x1A10] =	vst v1  }
0xbb: {  	[tilespmem:$0x1920] =	vst v0  }
0xbc: {  	[tilespmem:$0x1A20] =	vst v1  }
0xbd: {  	[tilespmem:$0x1930] =	vst v0  }
0xbe: {  	[tilespmem:$0x1A30] =	vst v1  }
0xbf: {  	[tilespmem:$0x1940] =	vst v0  }
0xc0: {  	[tilespmem:$0x1A40] =	vst v1  }
0xc1: {  	[tilespmem:$0x1950] =	vst v0  }
0xc2: {  	[tilespmem:$0x1A50] =	vst v1  }
0xc3: {  	[tilespmem:$0x1960] =	vst v0  }
.Ltmp2:
0xc4: {  	[tilespmem:$0x1A60] =	vst v1;
	(pc) =	sbr.rel .LBB2_2-.Ltmp2, $4  }
0xc5: {  	[tilespmem:$0x1970] =	vst v0  }
0xc6: {  	[tilespmem:$0x1A70] =	vst v1  }
0xc7: {  	[tilespmem:$0x1980] =	vst v0  }
0xc8: {  	v22 =	vimm.f32 $0.0e+00;
	v24 =	vimm.f32 $0.0e+00;
	s17 =	simm.s32 $0x0;
	[tilespmem:$0x1A80] =	vst v1  }
.LBB2_14:
0xc9: {  	v40 =	vsel vm4, v33, v39;
	v53 =	vsel vm4, v39, v33  }
0xca: {  	v54 =	vsub.f32 v27, v40;
	v27 =	vsub.f32 v53, v27  }
0xcb: {  	vm15 =	veq.s32 v35, $0x0;
	vm8 =	vlt.u32 v35, $0x80;
	v56 =	vsel vm3, v32, v38  }
0xcc: {  	v57 =	vsel vm3, v38, v32;
	v55 =	vsel vm15, $0x501502F9, v54;
	v27 =	vnsel vm8, $0x501502F9, v27  }
0xcd: {  	vm10 =	veq.s32 v34, $0x0;
	vm11 =	vlt.u32 v34, $0x80;
	v27 =	vmin.f32 v55, v27  }
0xce: {  	v59 =	vsel vm2, v29, v37;
	v60 =	vsel vm2, v37, v29;
	v27 =	vmul.f32 v27, v27  }
0xcf: {  	vm12 =	veq.s32 v31, $0x0;
	vm13 =	vlt.u32 v31, $0x80;
	v62 =	vsel vm1, v28, v36  }
0xd0: {  	v63 =	vsel vm1, v36, v28;
	v33 =	vsub.f32 v26, v56;
	v27 =	vnsel vm0, $0x0, v27  }
0xd1: {  	v26 =	vsub.f32 v57, v26;
	v24 =	vadd.f32 v27, v24;
	v27 =	vsel vm0, $0x3F800000, v5  }
0xd2: {  	v29 =	vsub.f32 v23, v62;
	v58 =	vsel vm10, $0x501502F9, v33;
	v22 =	vadd.f32 v27, v22  }
0xd3: {  	v26 =	vnsel vm11, $0x501502F9, v26;
	v27 =	vsub.f32 v25, v59;
	v25 =	vsub.f32 v60, v25  }
0xd4: {  	v23 =	vsub.f32 v63, v23;
	vm15 =	vlt.u32 v30, $0x80;
	v26 =	vmin.f32 v58, v26  }
0xd5: {  	v26 =	vmul.f32 v26, v26;
	v27 =	vsel vm12, $0x501502F9, v27;
	v25 =	vnsel vm13, $0x501502F9, v25  }
0xd6: {  	vm14 =	veq.s32 v30, $0x0;
	v23 =	vnsel vm15, $0x501502F9, v23;
	v25 =	vmin.f32 v27, v25  }
0xd7: {  	s17 =	sadd.s32 $0x1, s17;
	v26 =	vnsel vm5, $0x0, v26;
	v27 =	vsel vm14, $0x501502F9, v29;
	v25 =	vmul.f32 v25, v25  }
0xd8: {  	v61 =	vsel vm5, $0x3F800000, v5;
	p0 =	sne.s32 s17, $0x62;
	v24 =	vadd.f32 v26, v24;
	v23 =	vmin.f32 v27, v23  }
.Ltmp3:
0xd9: {  	v22 =	vadd.f32 v61, v22;
	v23 =	vmul.f32 v23, v23;
	v25 =	vnsel vm6, $0x0, v25;
	(pc) =	sbr.rel @!p0 .LBB2_15-.Ltmp3, $4  }
0xda: {  	v26 =	vsel vm6, $0x3F800000, v5;
	v24 =	vadd.f32 v25, v24  }
0xdb: {  	v22 =	vadd.f32 v26, v22;
	v23 =	vnsel vm7, $0x0, v23  }
0xdc: {  	v25 =	vsel vm7, $0x3F800000, v5;
	v24 =	vadd.f32 v23, v24  }
0xdd: {  	v22 =	vadd.f32 v25, v22  }
.LBB2_2:
0xde: {  	_ =	sdelay $0x2  }
0xdf: {  	s18 =	sshll.u32 s17, $0x6  }
0xe0: {  	v28 =	vld.idx.msk [tilespmem:v2+s2+$0x0], $0xffff;
	s18 =	sand.u32 $0x3FFFFFC0, s18  }
0xe1: {  	v27 =	vld [tilespmem:s18+$0x80];
	_ =	sdelay $0x3  }
0xe2: {  	v26 =	vld [tilespmem:s18+$0x90]  }
0xe3: {  	v25 =	vld [tilespmem:s18+$0xA0];
	vm0 =	vle.f32 v28, v27  }
0xe4: {  	v23 =	vld [tilespmem:s18+$0xB0];
	v29 =	vsel vm0, $0x40, v3  }
0xe5: {  	v30 =	vor.u32 $0x1F, v29;
	_ =	sdelay $0x1  }
0xe6: {  	vm0 =	vle.f32 v28, v26  }
0xe7: {  	v31 =	vsel vm0, $0x40, v3;
	vm0 =	vle.f32 v28, v25  }
0xe8: {  	v32 =	vor.u32 $0x1F, v31;
	v33 =	vsel vm0, $0x40, v3;
	vm0 =	vle.f32 v28, v23  }
0xe9: {  	v34 =	vsel vm0, $0x40, v3;
	v28 =	vld.idx.msk [tilespmem:v30+s2+$0x0], $0xffff;
	v30 =	vor.u32 $0x1F, v33  }
0xea: {  	v35 =	vor.u32 $0x1F, v34;
	_ =	sdelay $0x2  }
0xeb: {  	v32 =	vld.idx.msk [tilespmem:v32+s2+$0x0], $0xffff  }
0xec: {  	vm0 =	vle.f32 v28, v27;
	v28 =	vld.idx.msk [tilespmem:v30+s2+$0x0], $0xffff  }
0xed: {  	v35 =	vld.idx.msk [tilespmem:v35+s2+$0x0], $0xffff;
	v30 =	vsel vm0, $0x20, v3  }
0xee: {  	v29 =	vor.u32 v29, v30  }
0xef: {  	v30 =	vor.u32 $0xF, v29  }
0xf0: {  	vm0 =	vle.f32 v32, v26  }
0xf1: {  	v32 =	vsel vm0, $0x20, v3;
	vm0 =	vle.f32 v28, v25  }
0xf2: {  	v31 =	vor.u32 v31, v32;
	v28 =	vsel vm0, $0x20, v3;
	vm0 =	vle.f32 v35, v23  }
0xf3: {  	v32 =	vor.u32 $0xF, v31;
	v28 =	vor.u32 v33, v28;
	v60 =	vsel vm0, $0x20, v3  }
0xf4: {  	v30 =	vld.idx.msk [tilespmem:v30+s2+$0x0], $0xffff;
	v61 =	vor.u32 $0xF, v28;
	v33 =	vor.u32 v34, v60  }
0xf5: {  	v34 =	vor.u32 $0xF, v33;
	_ =	sdelay $0x2  }
0xf6: {  	v32 =	vld.idx.msk [tilespmem:v32+s2+$0x0], $0xffff  }
0xf7: {  	vm0 =	vle.f32 v30, v27;
	v30 =	vld.idx.msk [tilespmem:v61+s2+$0x0], $0xffff  }
0xf8: {  	v62 =	vsel vm0, $0x10, v3;
	v34 =	vld.idx.msk [tilespmem:v34+s2+$0x0], $0xffff  }
0xf9: {  	v29 =	vor.u32 v62, v29  }
0xfa: {  	v63 =	vor.u32 $0x7, v29  }
0xfb: {  	vm0 =	vle.f32 v32, v26  }
0xfc: {  	v36 =	vsel vm0, $0x10, v3;
	vm0 =	vle.f32 v30, v25  }
0xfd: {  	v31 =	vor.u32 v36, v31;
	v30 =	vsel vm0, $0x10, v3;
	vm0 =	vle.f32 v34, v23  }
0xfe: {  	v35 =	vor.u32 $0x7, v31;
	v28 =	vor.u32 v30, v28;
	v30 =	vsel vm0, $0x10, v3  }
0xff: {  	v32 =	vld.idx.msk [tilespmem:v63+s2+$0x0], $0xffff;
	v37 =	vor.u32 $0x7, v28;
	v30 =	vor.u32 v30, v33  }
0x100: {  	v33 =	vor.u32 $0x7, v30;
	_ =	sdelay $0x2  }
0x101: {  	v35 =	vld.idx.msk [tilespmem:v35+s2+$0x0], $0xffff  }
0x102: {  	vm0 =	vle.f32 v32, v27;
	v38 =	vld.idx.msk [tilespmem:v37+s2+$0x0], $0xffff  }
0x103: {  	v39 =	vsel vm0, $0x8, v3;
	v33 =	vld.idx.msk [tilespmem:v33+s2+$0x0], $0xffff  }
0x104: {  	v29 =	vor.u32 v39, v29  }
0x105: {  	v34 =	vor.u32 $0x3, v29  }
0x106: {  	vm0 =	vle.f32 v35, v26  }
0x107: {  	v35 =	vsel vm0, $0x8, v3;
	vm0 =	vle.f32 v38, v25  }
0x108: {  	v31 =	vor.u32 v35, v31;
	v32 =	vsel vm0, $0x8, v3;
	vm0 =	vle.f32 v33, v23  }
0x109: {  	v35 =	vor.u32 $0x3, v31;
	v28 =	vor.u32 v32, v28;
	v40 =	vsel vm0, $0x8, v3  }
0x10a: {  	v41 =	vld.idx.msk [tilespmem:v34+s2+$0x0], $0xffff;
	v42 =	vor.u32 $0x3, v28;
	v30 =	vor.u32 v40, v30  }
0x10b: {  	v32 =	vor.u32 $0x3, v30;
	_ =	sdelay $0x2  }
0x10c: {  	v35 =	vld.idx.msk [tilespmem:v35+s2+$0x0], $0xffff  }
0x10d: {  	vm0 =	vle.f32 v41, v27;
	v43 =	vld.idx.msk [tilespmem:v42+s2+$0x0], $0xffff  }
0x10e: {  	v44 =	vsel vm0, $0x4, v3;
	v32 =	vld.idx.msk [tilespmem:v32+s2+$0x0], $0xffff  }
0x10f: {  	v29 =	vor.u32 v44, v29  }
0x110: {  	v34 =	vor.u32 $0x1, v29  }
0x111: {  	vm0 =	vle.f32 v35, v26  }
0x112: {  	v35 =	vsel vm0, $0x4, v3;
	vm0 =	vle.f32 v43, v25  }
0x113: {  	v31 =	vor.u32 v35, v31;
	v33 =	vsel vm0, $0x4, v3;
	vm0 =	vle.f32 v32, v23  }
0x114: {  	v35 =	vor.u32 $0x1, v31;
	v28 =	vor.u32 v33, v28;
	v32 =	vsel vm0, $0x4, v3  }
0x115: {  	v45 =	vld.idx.msk [tilespmem:v34+s2+$0x0], $0xffff;
	v46 =	vor.u32 $0x1, v28;
	v30 =	vor.u32 v32, v30  }
0x116: {  	v32 =	vor.u32 $0x1, v30;
	_ =	sdelay $0x2  }
0x117: {  	v35 =	vld.idx.msk [tilespmem:v35+s2+$0x0], $0xffff  }
0x118: {  	vm0 =	vle.f32 v45, v27;
	v47 =	vld.idx.msk [tilespmem:v46+s2+$0x0], $0xffff  }
0x119: {  	v48 =	vsel vm0, $0x2, v3;
	v32 =	vld.idx.msk [tilespmem:v32+s2+$0x0], $0xffff  }
0x11a: {  	v29 =	vor.u32 v48, v29;
	_ =	sdelay $0x1  }
0x11b: {  	vm0 =	vle.f32 v35, v26  }
0x11c: {  	v49 =	vsel vm0, $0x2, v3;
	vm0 =	vle.f32 v47, v25  }
0x11d: {  	v31 =	vor.u32 v49, v31;
	v33 =	vsel vm0, $0x2, v3;
	vm0 =	vle.f32 v32, v23  }
0x11e: {  	v50 =	vld.idx.msk [tilespmem:v29+s2+$0x0], $0xffff;
	v28 =	vor.u32 v33, v28;
	v51 =	vsel vm0, $0x2, v3  }
0x11f: {  	v30 =	vor.u32 v51, v30;
	_ =	sdelay $0x2  }
0x120: {  	v52 =	vld.idx.msk [tilespmem:v31+s2+$0x0], $0xffff  }
0x121: {  	vm1 =	vle.f32 v50, v27;
	v53 =	vld.idx.msk [tilespmem:v28+s2+$0x0], $0xffff  }
0x122: {  	vm0 =	vge.f32 v27, $1.000000050e-03;
	v54 =	vsel vm1, $0x1, v3;
	v55 =	vld.idx.msk [tilespmem:v30+s2+$0x0], $0xffff  }
0x123: {  	v34 =	vor.u32 v54, v29;
	v29 =	vsel vm0, $0x1, v3  }
0x124: {  	v29 =	vor.u32 $0x80000000, v29  }
0x125: {  	vm1 =	vle.f32 v52, v26;
	(xrf0) =	vmax.scan.msk.u32 $0xffff, v29  }
0x126: {  	v33 =	vsel vm1, $0x1, v3;
	vm1 =	vle.f32 v53, v25  }
0x127: {  	v29 =	vsel vm1, $0x1, v3;
	vm1 =	vle.f32 v55, v23  }
0x128: {  	v36 =	vor.u32 v29, v28;
	v28 =	vsel vm1, $0x1, v3  }
0x129: {  	v31 =	vor.u32 v33, v31;
	_ =	sdelay $0x1  }
0x12a: {  	v30 =	vor.u32 v28, v30;
	v28, _, _ =	vpop (xrf0)  }
0x12b: {  	v33 =	vld.idx.msk [tilespmem:v34+s2+$0x0], $0xffff;
	(v2sf) =	vpush v28, $0xF;
	_ =	sdelay $0x1  }
0x12c: {  	v32 =	vld.idx.msk [tilespmem:v31+s2+$0x0], $0xffff;
	_ =	sdelay $0x2  }
0x12d: {  	vm4 =	vle.f32 v33, v27;
	v29 =	vld.idx.msk [tilespmem:v36+s2+$0x0], $0xffff  }
0x12e: {  	v56 =	vsel vm4, $0x1, v3;
	v28 =	vld.idx.msk [tilespmem:v30+s2+$0x0], $0xffff  }
0x12f: {  	vm3 =	vle.f32 v32, v26;
	v35 =	vadd.s32 v56, v34  }
0x130: {  	v37 =	vsel vm3, $0x1, v3;
	v34 =	vmax.u32 v35, $0x1  }
0x131: {  	v38 =	vmin.u32 v35, $0x7F;
	v39 =	vsub.s32 v34, v4;
	v34 =	vadd.s32 v37, v31  }
0x132: {  	v57 =	vsel vm4, v38, v39;
	v58 =	vmin.u32 v34, $0x7F;
	vm2 =	vle.f32 v29, v25  }
0x133: {  	v31 =	vmax.u32 v34, $0x1;
	v59 =	vsel vm2, $0x1, v3;
	vm1 =	vle.f32 v28, v23  }
0x134: {  	v40 =	vsub.s32 v31, v4;
	v31 =	vadd.s32 v59, v36;
	v60 =	vsel vm1, $0x1, v3  }
0x135: {  	v38 =	vsel vm3, v58, v40;
	v39 =	vmax.u32 v31, $0x1;
	v30 =	vadd.s32 v60, v30  }
0x136: {  	v61 =	vmin.u32 v31, $0x7F;
	v39 =	vsub.s32 v39, v4;
	v62 =	vmax.u32 v30, $0x1  }
0x137: {  	v63 =	vmin.u32 v30, $0x7F;
	v36 =	vsel vm2, v61, v39;
	v40 =	vsub.s32 v62, v4;
	s31 =	spop (v2sf)  }
0x138: {  	v40 =	vsel vm1, v63, v40;
	p0 =	slt.u32 s31, $0x80000001  }
.Ltmp4:
0x139: {  	_ = 	snop;
	(pc) =	sbr.rel @p0 .LBB2_5-.Ltmp4, $4  }
0x13a: {  	v39 =	vld.idx.msk [tilespmem:v57+s2+$0x0], $0xffff  }
0x13b: {  	v38 =	vld.idx.msk [tilespmem:v38+s2+$0x0], $0xffff  }
0x13c: {  	v37 =	vld.idx.msk [tilespmem:v36+s2+$0x0], $0xffff  }
0x13d: {  	v36 =	vld.idx.msk [tilespmem:v40+s2+$0x0], $0xffff  }
0x13e: {  	v40 =	vnsel vm0, $0x501502F9, v27;
	v41 =	vnsel vm0, $0xD01502F9, v27;
	vm5 =	vmmov vm0  }
.LBB2_4:
0x13f: {  	v42 =	vld.idx.msk [tilespmem:v35+s11+$0x0], $0xffff;
	_ =	sdelay $0x4  }
0x140: {  	v42 =	vmin.f32 v42, v40  }
0x141: {  	[tilespmem:v35+s11+$0x0] =	vst.idx.msk vm5, v42  }
0x142: {  	v42 =	vld.idx.msk [tilespmem:v35+s12+$0x0], $0xffff;
	_ =	sdelay $0x4  }
0x143: {  	v42 =	vmax.f32 v42, v41  }
0x144: {  	[tilespmem:v35+s12+$0x0] =	vst.idx.msk vm5, v42  }
0x145: {  	v42 =	vld.idx.msk [tilespmem:v35+s11+$0x0], $0xffff  }
0x146: {  	v43 =	vld.idx.msk [tilespmem:v35+s12+$0x0], $0xffff;
	_ =	sdelay $0x4  }
0x147: {  	vm6 =	vgt.f32 v42, v40;
	vm7 =	vlt.f32 v43, v41  }
0x148: {  	vm6 =	vmor vm6, vm7  }
0x149: {  	vm5 =	vmand vm5, vm6  }
0x14a: {  	v63 =	vsel vm5, $0x1, v3  }
0x14b: {  	v42 =	vor.u32 $0x80000000, v63  }
0x14c: {  	(xrf0) =	vmax.scan.msk.u32 $0xffff, v42;
	_ =	sdelay $0x5  }
0x14d: {  	v42, _, _ =	vpop (xrf0)  }
0x14e: {  	(v2sf) =	vpush v42, $0xF;
	_ =	sdelay $0xe  }
0x14f: {  	s18 =	spop (v2sf)  }
0x150: {  	p0 =	sgt.u32 s18, $0x80000000  }
.Ltmp5:
0x151: {  	_ = 	snop;
	(pc) =	sbr.rel @p0 .LBB2_4-.Ltmp5, $1  }
0x152: {  	_ =	sdelay $0x3  }
.LBB2_5:
0x153: {  	vm6 =	vge.f32 v26, $1.000000050e-03  }
0x154: {  	v40 =	vsel vm6, $0x1, v3  }
0x155: {  	v40 =	vor.u32 $0x80000000, v40  }
0x156: {  	(xrf0) =	vmax.scan.msk.u32 $0xffff, v40;
	_ =	sdelay $0x5  }
0x157: {  	v40, _, _ =	vpop (xrf0)  }
0x158: {  	(v2sf) =	vpush v40, $0xF;
	_ =	sdelay $0xe  }
0x159: {  	s18 =	spop (v2sf)  }
0x15a: {  	p0 =	slt.u32 s18, $0x80000001  }
.Ltmp6:
0x15b: {  	_ = 	snop;
	(pc) =	sbr.rel @p0 .LBB2_8-.Ltmp6, $2  }
0x15c: {  	_ =	sdelay $0x2  }
0x15d: {  	vm5 =	vge.f32 v26, $1.000000050e-03  }
0x15e: {  	v40 =	vnsel vm6, $0x501502F9, v26;
	v41 =	vnsel vm6, $0xD01502F9, v26;
	vm6 =	vmmov vm5  }
.LBB2_7:
0x15f: {  	v42 =	vld.idx.msk [tilespmem:v34+s11+$0x0], $0xffff;
	_ =	sdelay $0x4  }
0x160: {  	v42 =	vmin.f32 v42, v40  }
0x161: {  	[tilespmem:v34+s11+$0x0] =	vst.idx.msk vm6, v42  }
0x162: {  	v42 =	vld.idx.msk [tilespmem:v34+s12+$0x0], $0xffff;
	_ =	sdelay $0x4  }
0x163: {  	v42 =	vmax.f32 v42, v41  }
0x164: {  	[tilespmem:v34+s12+$0x0] =	vst.idx.msk vm6, v42  }
0x165: {  	v42 =	vld.idx.msk [tilespmem:v34+s11+$0x0], $0xffff  }
0x166: {  	v43 =	vld.idx.msk [tilespmem:v34+s12+$0x0], $0xffff;
	_ =	sdelay $0x4  }
0x167: {  	vm7 =	vgt.f32 v42, v40;
	vm8 =	vlt.f32 v43, v41  }
0x168: {  	vm7 =	vmor vm7, vm8  }
0x169: {  	vm6 =	vmand vm6, vm7  }
0x16a: {  	v63 =	vsel vm6, $0x1, v3  }
0x16b: {  	v42 =	vor.u32 $0x80000000, v63  }
0x16c: {  	(xrf0) =	vmax.scan.msk.u32 $0xffff, v42;
	_ =	sdelay $0x5  }
0x16d: {  	v42, _, _ =	vpop (xrf0)  }
0x16e: {  	(v2sf) =	vpush v42, $0xF;
	_ =	sdelay $0xe  }
0x16f: {  	s18 =	spop (v2sf)  }
0x170: {  	p0 =	sgt.u32 s18, $0x80000000  }
.Ltmp7:
0x171: {  	_ = 	snop;
	(pc) =	sbr.rel @p0 .LBB2_7-.Ltmp7, $1  }
0x172: {  	_ =	sdelay $0x3  }
.LBB2_8:
0x173: {  	vm7 =	vge.f32 v25, $1.000000050e-03  }
0x174: {  	v40 =	vsel vm7, $0x1, v3  }
0x175: {  	v40 =	vor.u32 $0x80000000, v40  }
0x176: {  	(xrf0) =	vmax.scan.msk.u32 $0xffff, v40;
	_ =	sdelay $0x5  }
0x177: {  	v40, _, _ =	vpop (xrf0)  }
0x178: {  	(v2sf) =	vpush v40, $0xF;
	_ =	sdelay $0xe  }
0x179: {  	s18 =	spop (v2sf)  }
0x17a: {  	p0 =	slt.u32 s18, $0x80000001  }
.Ltmp8:
0x17b: {  	_ = 	snop;
	(pc) =	sbr.rel @p0 .LBB2_11-.Ltmp8, $2  }
0x17c: {  	_ =	sdelay $0x2  }
0x17d: {  	vm6 =	vge.f32 v25, $1.000000050e-03  }
0x17e: {  	v40 =	vnsel vm7, $0x501502F9, v25;
	v41 =	vnsel vm7, $0xD01502F9, v25;
	vm7 =	vmmov vm6  }
.LBB2_10:
0x17f: {  	v42 =	vld.idx.msk [tilespmem:v31+s11+$0x0], $0xffff;
	_ =	sdelay $0x4  }
0x180: {  	v42 =	vmin.f32 v42, v40  }
0x181: {  	[tilespmem:v31+s11+$0x0] =	vst.idx.msk vm7, v42  }
0x182: {  	v42 =	vld.idx.msk [tilespmem:v31+s12+$0x0], $0xffff;
	_ =	sdelay $0x4  }
0x183: {  	v42 =	vmax.f32 v42, v41  }
0x184: {  	[tilespmem:v31+s12+$0x0] =	vst.idx.msk vm7, v42  }
0x185: {  	v42 =	vld.idx.msk [tilespmem:v31+s11+$0x0], $0xffff  }
0x186: {  	v43 =	vld.idx.msk [tilespmem:v31+s12+$0x0], $0xffff;
	_ =	sdelay $0x4  }
0x187: {  	vm8 =	vgt.f32 v42, v40;
	vm9 =	vlt.f32 v43, v41  }
0x188: {  	vm8 =	vmor vm8, vm9  }
0x189: {  	vm7 =	vmand vm7, vm8  }
0x18a: {  	v63 =	vsel vm7, $0x1, v3  }
0x18b: {  	v42 =	vor.u32 $0x80000000, v63  }
0x18c: {  	(xrf0) =	vmax.scan.msk.u32 $0xffff, v42;
	_ =	sdelay $0x5  }
0x18d: {  	v42, _, _ =	vpop (xrf0)  }
0x18e: {  	(v2sf) =	vpush v42, $0xF;
	_ =	sdelay $0xe  }
0x18f: {  	s18 =	spop (v2sf)  }
0x190: {  	p0 =	sgt.u32 s18, $0x80000000  }
.Ltmp9:
0x191: {  	_ = 	snop;
	(pc) =	sbr.rel @p0 .LBB2_10-.Ltmp9, $1  }
0x192: {  	_ =	sdelay $0x3  }
.LBB2_11:
0x193: {  	vm8 =	vge.f32 v23, $1.000000050e-03  }
0x194: {  	v40 =	vsel vm8, $0x1, v3  }
0x195: {  	v40 =	vor.u32 $0x80000000, v40  }
0x196: {  	(xrf0) =	vmax.scan.msk.u32 $0xffff, v40;
	_ =	sdelay $0x5  }
0x197: {  	v40, _, _ =	vpop (xrf0)  }
0x198: {  	(v2sf) =	vpush v40, $0xF;
	_ =	sdelay $0xe  }
0x199: {  	s18 =	spop (v2sf)  }
0x19a: {  	p0 =	slt.u32 s18, $0x80000001  }
.Ltmp10:
0x19b: {  	_ = 	snop;
	(pc) =	sbr.rel @p0 .LBB2_14-.Ltmp10, $2  }
0x19c: {  	_ =	sdelay $0x2  }
0x19d: {  	vm7 =	vge.f32 v23, $1.000000050e-03  }
0x19e: {  	v40 =	vnsel vm8, $0x501502F9, v23;
	v41 =	vnsel vm8, $0xD01502F9, v23;
	vm8 =	vmmov vm7  }
.LBB2_13:
0x19f: {  	v42 =	vld.idx.msk [tilespmem:v30+s11+$0x0], $0xffff;
	_ =	sdelay $0x4  }
0x1a0: {  	v42 =	vmin.f32 v42, v40  }
0x1a1: {  	[tilespmem:v30+s11+$0x0] =	vst.idx.msk vm8, v42  }
0x1a2: {  	v42 =	vld.idx.msk [tilespmem:v30+s12+$0x0], $0xffff;
	_ =	sdelay $0x4  }
0x1a3: {  	v42 =	vmax.f32 v42, v41  }
0x1a4: {  	[tilespmem:v30+s12+$0x0] =	vst.idx.msk vm8, v42  }
0x1a5: {  	v42 =	vld.idx.msk [tilespmem:v30+s11+$0x0], $0xffff  }
0x1a6: {  	v43 =	vld.idx.msk [tilespmem:v30+s12+$0x0], $0xffff;
	_ =	sdelay $0x4  }
0x1a7: {  	vm9 =	vgt.f32 v42, v40;
	vm10 =	vlt.f32 v43, v41  }
0x1a8: {  	vm9 =	vmor vm9, vm10  }
0x1a9: {  	vm8 =	vmand vm8, vm9  }
0x1aa: {  	v63 =	vsel vm8, $0x1, v3  }
0x1ab: {  	v42 =	vor.u32 $0x80000000, v63  }
0x1ac: {  	(xrf0) =	vmax.scan.msk.u32 $0xffff, v42;
	_ =	sdelay $0x5  }
0x1ad: {  	v42, _, _ =	vpop (xrf0)  }
0x1ae: {  	(v2sf) =	vpush v42, $0xF;
	_ =	sdelay $0xe  }
0x1af: {  	s18 =	spop (v2sf)  }
0x1b0: {  	p0 =	sgt.u32 s18, $0x80000000  }
.Ltmp11:
0x1b1: {  	_ = 	snop;
	(pc) =	sbr.rel @p0 .LBB2_13-.Ltmp11, $1  }
0x1b2: {  	_ =	sdelay $0x3  }
.Ltmp12:
0x1b3: {  	_ = 	snop;
	(pc) =	sbr.rel .LBB2_14-.Ltmp12, $1  }
0x1b4: {  	_ =	sdelay $0x3  }
.LBB2_16:
0x1b5: {  	_ =	sfence.sel $0x180000  }
0x1b6: {  	[bflag:$0x0] =	sbarrier.arrive $0xFFFF  }
0x1b7: {  	p0 =	sne.s32 s0, $0x0;
	_ =	strace $0x90000047  }
0x1b8: {  	s0 =	sadd.s32 @!p0 $0x100000, s1;
	[bflag:$0x2] =	sbarrier.arrive $0xFFFF  }
0x1b9: {  	[sflag:s0] =	ssyncadd.tile.s32 @!p0 $0x1;
	_ =	shalt  }
.Lfunc_end2:
_tile_overlayer_lowered:
.L_overlay_start_2:
0x1ba: {  	(tag) =	ssettag $0x2  }
0x1bb: {  	s0 =	rddreg [dreg:$0x0];
	s2 =	stileid.u32  }
0x1bc: {  	s1 =	rddreg [dreg:$0x1];
	p0 =	sne.s32 s2, $0x0  }
0x1bd: {  	s3 =	rddreg [dreg:$0x2];
	[bflag:$0x3] =	sbarrier.arrive $0xFFFF;
	s2 =	simm.s32 @!p0 $0x1C01  }
0x1be: {  	[timem:s3], [sflag:s2] =	dma.local @!p0 [hbm:s0], s1  }
0x1bf: {  	s0 =	simm.s32 @!p0 $0x1  }
0x1c0: {  	_ =	swait.ge @!p0 [sflag:s0], s1  }
0x1c1: {  	s1 =	ssub.s32 @!p0 $0x0, s1;
	[sflag:s0] =	ssyncset.done @!p0 $0x0  }
0x1c2: {  	[sflag:s0] =	ssyncadd.s32 @!p0 s1  }
0x1c3: {  	[bflag:$0x3] =	sbarrier.arrive $0xFFFF  }
0x1c4: {  	_ =	shalt  }

</sc_bundles>
